<compile_context>
chip_gen: v7x
topology: tpu7x:2x2x1
jax: 0.10.2.dev20260603
libtpu: 0.0.44.dev20260713+nightly
codegen_flags: <defaults>
</compile_context>

<pallas_src>
import jax
import jax.numpy as jnp
from jax import lax
from jax.experimental import pallas as pl
from jax.experimental.pallas import tpu as pltpu
from jax.experimental.pallas import tpu_sc as plsc

NCLS = 19
B, C, H, W = 8, 19, 512, 512

TH = 256


def _argmax_body(x_ref, lab_ref, out_ref):
    x = x_ref[0]
    best = x[0]
    idx = jnp.zeros((TH, W), jnp.int32)
    for c in range(1, C):
        v = x[c]
        gt = v > best
        best = jnp.where(gt, v, best)
        idx = jnp.where(gt, jnp.int32(c), idx)
    code = (idx << 9) | (lab_ref[0] << 4)
    top = code[:TH // 2]
    bot = code[TH // 2:]
    out_ref[...] = top | (bot << 16)


def _argmax_code(pred_label, label):
    hpb = H // TH
    return pl.pallas_call(
        _argmax_body,
        grid=(B * hpb,),
        in_specs=[
            pl.BlockSpec((1, C, TH, W), lambda i: (i // hpb, 0, i % hpb, 0)),
            pl.BlockSpec((1, TH, W), lambda i: (i // hpb, i % hpb, 0)),
        ],
        out_specs=pl.BlockSpec((TH // 2, W), lambda i: (i, 0)),
        out_shape=jax.ShapeDtypeStruct((B * H // 2, W), jnp.int32),
    )(pred_label, label)


NC, NS, L = 2, 16, 16
NW = NC * NS
SC_ROWS = B * H // 2
R_PER_W = SC_ROWS // NW
RCH = 32
CH = RCH * W
NCHUNK = R_PER_W // RCH
HISTW = NCLS * 512
_SC_MESH = plsc.VectorSubcoreMesh(core_axis_name="c", subcore_axis_name="s")


def _sc_hist_body(code_hbm, out_hbm, b0, b1, hist, s0, s1):
    wid = lax.axis_index("s") * NC + lax.axis_index("c")
    rbase = wid * R_PER_W

    @pl.loop(0, HISTW // L, unroll=8)
    def _zero(j):
        hist[pl.ds(j * L, L)] = jnp.zeros((L,), jnp.int32)

    lane = lax.broadcasted_iota(jnp.int32, (L,), 0)
    ones = jnp.ones((L,), jnp.int32)

    bufs, sems = (b0, b1), (s0, s1)

    def start(k):
        sl = pl.ds(rbase + k * RCH, RCH)
        pltpu.make_async_copy(code_hbm.at[sl, :], bufs[k % 2], sems[k % 2]).start()

    def wait(k):
        sl = pl.ds(rbase + k * RCH, RCH)
        pltpu.make_async_copy(code_hbm.at[sl, :], bufs[k % 2], sems[k % 2]).wait()

    start(0)
    for k in range(NCHUNK):
        wait(k)
        if k + 1 < NCHUNK:
            start(k + 1)
        pb = bufs[k % 2]

        @plsc.parallel_loop(0, CH // L, unroll=8)
        def _inner(i):
            r = i // (W // L)
            c = lax.rem(i, W // L)
            val = pb[r, pl.ds(c * L, L)]
            lo = jnp.bitwise_and(val, jnp.int32(0xFFFF))
            hi = lax.shift_right_logical(val, 16)
            plsc.addupdate_scatter(hist, [jnp.bitwise_or(lo, lane)], ones)
            plsc.addupdate_scatter(hist, [jnp.bitwise_or(hi, lane)], ones)

    pltpu.sync_copy(hist, out_hbm.at[wid])


def _sc_hist(code2d):
    return pl.kernel(
        _sc_hist_body,
        out_type=jax.ShapeDtypeStruct((NW, HISTW), jnp.int32),
        mesh=_SC_MESH,
        compiler_params=pltpu.CompilerParams(
            needs_layout_passes=False, use_tc_tiling_on_sc=True,
            skip_device_barrier=True),
        scratch_types=[
            pltpu.VMEM((RCH, W), jnp.int32),
            pltpu.VMEM((RCH, W), jnp.int32),
            pltpu.VMEM((HISTW,), jnp.int32),
            pltpu.SemaphoreType.DMA,
            pltpu.SemaphoreType.DMA,
        ],
    )(code2d)


def _final_body(part_ref, out_ref):
    xs = jnp.sum(part_ref[...], axis=0, keepdims=True)
    col = xs[:, 0:512]
    for c in range(1, NCLS):
        col = col + xs[:, c * 512:(c + 1) * 512]
    s = jnp.float32(0.0)
    n = jnp.float32(0.0)
    for c in range(NCLS):
        ap = jnp.sum(xs[:, c * 512:(c + 1) * 512]).astype(jnp.float32)
        al = jnp.sum(col[:, c * L:(c + 1) * L]).astype(jnp.float32)
        ai = jnp.sum(xs[:, c * 512 + c * L:c * 512 + (c + 1) * L]).astype(jnp.float32)
        union = ap + al - ai
        valid = union > 0.0
        s += jnp.where(valid, ai / jnp.where(valid, union, 1.0), 0.0)
        n += jnp.where(valid, 1.0, 0.0)
    mean = jnp.where(n > 0.0, s / jnp.where(n > 0.0, n, 1.0), 0.5)
    out_ref[0, 0] = jnp.float32(1.0) - mean


def _finalize(part):
    return pl.pallas_call(
        _final_body,
        out_specs=pl.BlockSpec(memory_space=pltpu.SMEM),
        out_shape=jax.ShapeDtypeStruct((1, 1), jnp.float32),
    )(part)


def kernel(pred_label, label):
    code = _argmax_code(pred_label, label)
    part = _sc_hist(code)
    return _finalize(part)[0, 0]

# --- scband reference (transcript-rebuilt; emitter-appended) ---
"""Pipeline reference for scband-io-umetric-loss-23553600651748 (READ-ONLY COPY).

The authoritative reference and input builder live on the scoring server;
editing this copy changes nothing except your own understanding.
"""

import jax, jax.numpy as jnp
import numpy as np

NUM_CLASSES = 19
IGNORE_INDEX = -1
B, C, H, W = 8, 19, 512, 512


def setup_inputs(seed: int = 0) -> dict:
    key = jax.random.key(seed)
    k1, k2 = jax.random.split(key)
    pred_label = jax.random.normal(k1, (B, C, H, W), dtype=jnp.float32)
    label = jax.random.randint(k2, (B, H, W), 0, NUM_CLASSES, dtype=jnp.int32)
    return {"pred_label": pred_label, "label": label}


def _intersect_and_union(pred_i, label_i):
    # mask out ignore_index; route masked-out pixels to a sentinel bin that is dropped
    mask = label_i != IGNORE_INDEX
    eq = jnp.logical_and(pred_i == label_i, mask)
    sentinel = NUM_CLASSES
    inter_m = jnp.where(eq, pred_i, sentinel).ravel()
    pred_m = jnp.where(mask, pred_i, sentinel).ravel()
    lab_m = jnp.where(mask, label_i, sentinel).ravel()
    # torch.histc with bins=num_classes, min=0, max=num_classes-1 on integer-valued
    # data is exactly a bincount over [0, num_classes)
    area_intersect = jnp.bincount(inter_m, length=NUM_CLASSES + 1)[:NUM_CLASSES].astype(jnp.float32)
    area_pred = jnp.bincount(pred_m, length=NUM_CLASSES + 1)[:NUM_CLASSES].astype(jnp.float32)
    area_label = jnp.bincount(lab_m, length=NUM_CLASSES + 1)[:NUM_CLASSES].astype(jnp.float32)
    area_union = area_pred + area_label - area_intersect
    return area_intersect, area_union, area_pred, area_label


def reference(pred_label, label):
    pred = jnp.argmax(pred_label, axis=1)
    total_intersect = jnp.zeros((NUM_CLASSES,), jnp.float32)
    total_union = jnp.zeros((NUM_CLASSES,), jnp.float32)
    total_pred = jnp.zeros((NUM_CLASSES,), jnp.float32)
    total_label = jnp.zeros((NUM_CLASSES,), jnp.float32)
    for i in range(pred.shape[0]):
        ai, au, ap, al = _intersect_and_union(pred[i], label[i])
        total_intersect = total_intersect + ai
        total_union = total_union + au
        total_pred = total_pred + ap
        total_label = total_label + al
    iou = total_intersect / total_union
    result = jnp.nanmean(iou)
    result = jnp.where(jnp.isnan(result), jnp.float32(0.5), result)
    return jnp.float32(1.0) - result

if __name__ == "__main__":
    import jax
    _d = setup_inputs()
    print(jax.jit(kernel)(*tuple(_d.values())))

</pallas_src>

<mosaic_0001>
#map = affine_map<(d0, d1) -> (0, 0)>
module attributes {stable_mosaic.version = 14 : i64} {
  func.func @_sc_hist_body(%arg0: i32, %arg1: i32, %arg2: memref<2048x512xi32, #tpu.memory_space<hbm>>, %arg3: memref<32x9728xi32, #tpu.memory_space<hbm>>, %arg4: memref<32x512xi32, #tpu.memory_space<vmem>>, %arg5: memref<32x512xi32, #tpu.memory_space<vmem>>, %arg6: memref<9728xi32, #tpu.memory_space<vmem>>, %arg7: memref<!tpu.dma_semaphore, #tpu.memory_space<semaphore_mem>>, %arg8: memref<!tpu.dma_semaphore, #tpu.memory_space<semaphore_mem>>) attributes {dimension_semantics = [#tpu.dimension_semantics<core_parallel>, #tpu.dimension_semantics<subcore_parallel>], iteration_bounds = array<i64: 2, 16>, scalar_prefetch = 0 : i64, scratch_operands = 5 : i64, tpu.core_type = #tpu.core_type<sc_vector_subcore>, window_params = [{transform_indices = #map}, {transform_indices = #map}]} {
    %mul3A = arith.constant 2 : i32
    %mul3A_0 = arith.muli %arg1, %mul3A : i32
    %add3A = arith.addi %mul3A_0, %arg0 : i32
    %mul3A_1 = arith.constant 64 : i32
    %mul3A_2 = arith.muli %add3A, %mul3A_1 : i32
    %scan3A = arith.constant 0 : i32
    %scan3A_3 = arith.constant 608 : i32
    %scan3A_4 = arith.addi %scan3A, %scan3A_3 : i32
    %scan3A_5 = arith.constant 8 : i32
    scf.for %scan3A_35 = %scan3A to %scan3A_4 step %scan3A_5  : i32 {
      %mul3A_36 = arith.constant 1 : i32
      %mul3A_37 = arith.muli %scan3A_35, %mul3A_36 : i32
      %add3A_38 = arith.constant 0 : i32
      %add3A_39 = arith.addi %add3A_38, %mul3A_37 : i32
      %broadcast_in_dim3A_40 = arith.constant 0 : i32
      %broadcast_in_dim3A_41 = vector.broadcast %broadcast_in_dim3A_40 : i32 to vector<16xi32>
      %mul3A_42 = arith.constant 16 : i32
      %mul3A_43 = arith.muli %add3A_39, %mul3A_42 : i32
      %swap3A = arith.index_cast %mul3A_43 : i32 to index
      %swap3A_44 = tpu.vector_load %arg6[%swap3A] {strides = array<i32>} : memref<9728xi32, #tpu.memory_space<vmem>>, vector<16xi32>,
      tpu.vector_store %arg6[%swap3A], %broadcast_in_dim3A_41 {strides = array<i32>} : memref<9728xi32, #tpu.memory_space<vmem>>, vector<16xi32>,
      %scan3A_45 = arith.constant 1 : i32
      %scan3A_46 = arith.addi %scan3A_35, %scan3A_45 : i32
      %mul3A_47 = arith.constant 1 : i32
      %mul3A_48 = arith.muli %scan3A_46, %mul3A_47 : i32
      %add3A_49 = arith.constant 0 : i32
      %add3A_50 = arith.addi %add3A_49, %mul3A_48 : i32
      %broadcast_in_dim3A_51 = arith.constant 0 : i32
      %broadcast_in_dim3A_52 = vector.broadcast %broadcast_in_dim3A_51 : i32 to vector<16xi32>
      %mul3A_53 = arith.constant 16 : i32
      %mul3A_54 = arith.muli %add3A_50, %mul3A_53 : i32
      %swap3A_55 = arith.index_cast %mul3A_54 : i32 to index
      %swap3A_56 = tpu.vector_load %arg6[%swap3A_55] {strides = array<i32>} : memref<9728xi32, #tpu.memory_space<vmem>>, vector<16xi32>,
      tpu.vector_store %arg6[%swap3A_55], %broadcast_in_dim3A_52 {strides = array<i32>} : memref<9728xi32, #tpu.memory_space<vmem>>, vector<16xi32>,
      %scan3A_57 = arith.constant 2 : i32
      %scan3A_58 = arith.addi %scan3A_35, %scan3A_57 : i32
      %mul3A_59 = arith.constant 1 : i32
      %mul3A_60 = arith.muli %scan3A_58, %mul3A_59 : i32
      %add3A_61 = arith.constant 0 : i32
      %add3A_62 = arith.addi %add3A_61, %mul3A_60 : i32
      %broadcast_in_dim3A_63 = arith.constant 0 : i32
      %broadcast_in_dim3A_64 = vector.broadcast %broadcast_in_dim3A_63 : i32 to vector<16xi32>
      %mul3A_65 = arith.constant 16 : i32
      %mul3A_66 = arith.muli %add3A_62, %mul3A_65 : i32
      %swap3A_67 = arith.index_cast %mul3A_66 : i32 to index
      %swap3A_68 = tpu.vector_load %arg6[%swap3A_67] {strides = array<i32>} : memref<9728xi32, #tpu.memory_space<vmem>>, vector<16xi32>,
      tpu.vector_store %arg6[%swap3A_67], %broadcast_in_dim3A_64 {strides = array<i32>} : memref<9728xi32, #tpu.memory_space<vmem>>, vector<16xi32>,
      %scan3A_69 = arith.constant 3 : i32
      %scan3A_70 = arith.addi %scan3A_35, %scan3A_69 : i32
      %mul3A_71 = arith.constant 1 : i32
      %mul3A_72 = arith.muli %scan3A_70, %mul3A_71 : i32
      %add3A_73 = arith.constant 0 : i32
      %add3A_74 = arith.addi %add3A_73, %mul3A_72 : i32
      %broadcast_in_dim3A_75 = arith.constant 0 : i32
      %broadcast_in_dim3A_76 = vector.broadcast %broadcast_in_dim3A_75 : i32 to vector<16xi32>
      %mul3A_77 = arith.constant 16 : i32
      %mul3A_78 = arith.muli %add3A_74, %mul3A_77 : i32
      %swap3A_79 = arith.index_cast %mul3A_78 : i32 to index
      %swap3A_80 = tpu.vector_load %arg6[%swap3A_79] {strides = array<i32>} : memref<9728xi32, #tpu.memory_space<vmem>>, vector<16xi32>,
      tpu.vector_store %arg6[%swap3A_79], %broadcast_in_dim3A_76 {strides = array<i32>} : memref<9728xi32, #tpu.memory_space<vmem>>, vector<16xi32>,
      %scan3A_81 = arith.constant 4 : i32
      %scan3A_82 = arith.addi %scan3A_35, %scan3A_81 : i32
      %mul3A_83 = arith.constant 1 : i32
      %mul3A_84 = arith.muli %scan3A_82, %mul3A_83 : i32
      %add3A_85 = arith.constant 0 : i32
      %add3A_86 = arith.addi %add3A_85, %mul3A_84 : i32
      %broadcast_in_dim3A_87 = arith.constant 0 : i32
      %broadcast_in_dim3A_88 = vector.broadcast %broadcast_in_dim3A_87 : i32 to vector<16xi32>
      %mul3A_89 = arith.constant 16 : i32
      %mul3A_90 = arith.muli %add3A_86, %mul3A_89 : i32
      %swap3A_91 = arith.index_cast %mul3A_90 : i32 to index
      %swap3A_92 = tpu.vector_load %arg6[%swap3A_91] {strides = array<i32>} : memref<9728xi32, #tpu.memory_space<vmem>>, vector<16xi32>,
      tpu.vector_store %arg6[%swap3A_91], %broadcast_in_dim3A_88 {strides = array<i32>} : memref<9728xi32, #tpu.memory_space<vmem>>, vector<16xi32>,
      %scan3A_93 = arith.constant 5 : i32
      %scan3A_94 = arith.addi %scan3A_35, %scan3A_93 : i32
      %mul3A_95 = arith.constant 1 : i32
      %mul3A_96 = arith.muli %scan3A_94, %mul3A_95 : i32
      %add3A_97 = arith.constant 0 : i32
      %add3A_98 = arith.addi %add3A_97, %mul3A_96 : i32
      %broadcast_in_dim3A_99 = arith.constant 0 : i32
      %broadcast_in_dim3A_100 = vector.broadcast %broadcast_in_dim3A_99 : i32 to vector<16xi32>
      %mul3A_101 = arith.constant 16 : i32
      %mul3A_102 = arith.muli %add3A_98, %mul3A_101 : i32
      %swap3A_103 = arith.index_cast %mul3A_102 : i32 to index
      %swap3A_104 = tpu.vector_load %arg6[%swap3A_103] {strides = array<i32>} : memref<9728xi32, #tpu.memory_space<vmem>>, vector<16xi32>,
      tpu.vector_store %arg6[%swap3A_103], %broadcast_in_dim3A_100 {strides = array<i32>} : memref<9728xi32, #tpu.memory_space<vmem>>, vector<16xi32>,
      %scan3A_105 = arith.constant 6 : i32
      %scan3A_106 = arith.addi %scan3A_35, %scan3A_105 : i32
      %mul3A_107 = arith.constant 1 : i32
      %mul3A_108 = arith.muli %scan3A_106, %mul3A_107 : i32
      %add3A_109 = arith.constant 0 : i32
      %add3A_110 = arith.addi %add3A_109, %mul3A_108 : i32
      %broadcast_in_dim3A_111 = arith.constant 0 : i32
      %broadcast_in_dim3A_112 = vector.broadcast %broadcast_in_dim3A_111 : i32 to vector<16xi32>
      %mul3A_113 = arith.constant 16 : i32
      %mul3A_114 = arith.muli %add3A_110, %mul3A_113 : i32
      %swap3A_115 = arith.index_cast %mul3A_114 : i32 to index
      %swap3A_116 = tpu.vector_load %arg6[%swap3A_115] {strides = array<i32>} : memref<9728xi32, #tpu.memory_space<vmem>>, vector<16xi32>,
      tpu.vector_store %arg6[%swap3A_115], %broadcast_in_dim3A_112 {strides = array<i32>} : memref<9728xi32, #tpu.memory_space<vmem>>, vector<16xi32>,
      %scan3A_117 = arith.constant 7 : i32
      %scan3A_118 = arith.addi %scan3A_35, %scan3A_117 : i32
      %mul3A_119 = arith.constant 1 : i32
      %mul3A_120 = arith.muli %scan3A_118, %mul3A_119 : i32
      %add3A_121 = arith.constant 0 : i32
      %add3A_122 = arith.addi %add3A_121, %mul3A_120 : i32
      %broadcast_in_dim3A_123 = arith.constant 0 : i32
      %broadcast_in_dim3A_124 = vector.broadcast %broadcast_in_dim3A_123 : i32 to vector<16xi32>
      %mul3A_125 = arith.constant 16 : i32
      %mul3A_126 = arith.muli %add3A_122, %mul3A_125 : i32
      %swap3A_127 = arith.index_cast %mul3A_126 : i32 to index
      %swap3A_128 = tpu.vector_load %arg6[%swap3A_127] {strides = array<i32>} : memref<9728xi32, #tpu.memory_space<vmem>>, vector<16xi32>,
      tpu.vector_store %arg6[%swap3A_127], %broadcast_in_dim3A_124 {strides = array<i32>} : memref<9728xi32, #tpu.memory_space<vmem>>, vector<16xi32>,
    }
    %scan3A_6 = arith.constant 608 : i32
    %iota3A = tpu.iota {dimensions = array<i32: 0>} : vector<16xi32>
    %broadcast_in_dim3A = arith.constant 1 : i32
    %broadcast_in_dim3A_7 = vector.broadcast %broadcast_in_dim3A : i32 to vector<16xi32>
    %add3A_8 = arith.constant 0 : i32
    %add3A_9 = arith.addi %mul3A_2, %add3A_8 : i32
    %dma_start3A = arith.constant 0 : i32
    %dma_start3A_10 = tpu.memref_slice %arg2[%add3A_9, %dma_start3A] : memref<2048x512xi32, #tpu.memory_space<hbm>> -> memref<32x512xi32, #tpu.memory_space<hbm>>
    %dma_start3A_11 = arith.constant 0 : i32
    %dma_start3A_12 = tpu.memref_slice %arg2[%add3A_9, %dma_start3A_11] : memref<2048x512xi32, #tpu.memory_space<hbm>> -> memref<32x512xi32, #tpu.memory_space<hbm>>
    tpu.enqueue_dma source(%dma_start3A_12 : memref<32x512xi32, #tpu.memory_space<hbm>>) target(%arg4 : memref<32x512xi32, #tpu.memory_space<vmem>>) target_semaphore(%arg7 : memref<!tpu.dma_semaphore, #tpu.memory_space<semaphore_mem>>)
    %add3A_13 = arith.constant 0 : i32
    %add3A_14 = arith.addi %mul3A_2, %add3A_13 : i32
    %dma_wait3A = arith.constant 0 : i32
    %dma_wait3A_15 = tpu.memref_slice %arg2[%add3A_14, %dma_wait3A] : memref<2048x512xi32, #tpu.memory_space<hbm>> -> memref<32x512xi32, #tpu.memory_space<hbm>>
    %dma_wait3A_16 = arith.constant 0 : i32
    %dma_wait3A_17 = tpu.memref_slice %arg2[%add3A_14, %dma_wait3A_16] : memref<2048x512xi32, #tpu.memory_space<hbm>> -> memref<32x512xi32, #tpu.memory_space<hbm>>
    tpu.wait_dma2 semaphore(%arg7 : memref<!tpu.dma_semaphore, #tpu.memory_space<semaphore_mem>>) src(%dma_wait3A_17 : memref<32x512xi32, #tpu.memory_space<hbm>>) dst(%arg4 : memref<32x512xi32, #tpu.memory_space<vmem>>)
    %add3A_18 = arith.constant 32 : i32
    %add3A_19 = arith.addi %mul3A_2, %add3A_18 : i32
    %dma_start3A_20 = arith.constant 0 : i32
    %dma_start3A_21 = tpu.memref_slice %arg2[%add3A_19, %dma_start3A_20] : memref<2048x512xi32, #tpu.memory_space<hbm>> -> memref<32x512xi32, #tpu.memory_space<hbm>>
    %dma_start3A_22 = arith.constant 0 : i32
    %dma_start3A_23 = tpu.memref_slice %arg2[%add3A_19, %dma_start3A_22] : memref<2048x512xi32, #tpu.memory_space<hbm>> -> memref<32x512xi32, #tpu.memory_space<hbm>>
    tpu.enqueue_dma source(%dma_start3A_23 : memref<32x512xi32, #tpu.memory_space<hbm>>) target(%arg5 : memref<32x512xi32, #tpu.memory_space<vmem>>) target_semaphore(%arg8 : memref<!tpu.dma_semaphore, #tpu.memory_space<semaphore_mem>>)
    %parallel_loop3A = arith.constant 0 : i32
    %parallel_loop3A_24 = arith.constant 1024 : i32
    %parallel_loop3A_25 = arith.constant 1 : i32
    scf.for %parallel_loop3A_35 = %parallel_loop3A to %parallel_loop3A_24 step %parallel_loop3A_25  : i32 {
      %parallel_loop3A_36 = arith.constant 32 : i32
      %parallel_loop3A_37 = arith.divsi %parallel_loop3A_35, %parallel_loop3A_36 : i32
      %parallel_loop3A_38 = arith.constant 0 : i32
      %parallel_loop3A_39 = arith.cmpi sgt, %parallel_loop3A_35, %parallel_loop3A_38 : i32
      %parallel_loop3A_40 = arith.extui %parallel_loop3A_39 : i1 to i32
      %parallel_loop3A_41 = arith.constant 0 : i32
      %parallel_loop3A_42 = arith.cmpi slt, %parallel_loop3A_35, %parallel_loop3A_41 : i32
      %parallel_loop3A_43 = arith.extui %parallel_loop3A_42 : i1 to i32
      %parallel_loop3A_44 = arith.subi %parallel_loop3A_40, %parallel_loop3A_43 : i32
      %parallel_loop3A_45 = arith.constant 0 : i32
      %parallel_loop3A_46 = arith.cmpi sgt, %parallel_loop3A_36, %parallel_loop3A_45 : i32
      %parallel_loop3A_47 = arith.extui %parallel_loop3A_46 : i1 to i32
      %parallel_loop3A_48 = arith.constant 0 : i32
      %parallel_loop3A_49 = arith.cmpi slt, %parallel_loop3A_36, %parallel_loop3A_48 : i32
      %parallel_loop3A_50 = arith.extui %parallel_loop3A_49 : i1 to i32
      %parallel_loop3A_51 = arith.subi %parallel_loop3A_47, %parallel_loop3A_50 : i32
      %parallel_loop3A_52 = arith.cmpi ne, %parallel_loop3A_44, %parallel_loop3A_51 : i32
      %parallel_loop3A_53 = arith.remsi %parallel_loop3A_35, %parallel_loop3A_36 : i32
      %parallel_loop3A_54 = arith.constant 0 : i32
      %parallel_loop3A_55 = arith.cmpi ne, %parallel_loop3A_53, %parallel_loop3A_54 : i32
      %parallel_loop3A_56 = arith.andi %parallel_loop3A_52, %parallel_loop3A_55 : i1
      %parallel_loop3A_57 = arith.constant 1 : i32
      %parallel_loop3A_58 = arith.subi %parallel_loop3A_37, %parallel_loop3A_57 : i32
      %parallel_loop3A_59 = arith.select %parallel_loop3A_56, %parallel_loop3A_58, %parallel_loop3A_37 : i32
      %parallel_loop3A_60 = arith.constant 32 : i32
      %parallel_loop3A_61 = arith.remsi %parallel_loop3A_35, %parallel_loop3A_60 : i32
      %parallel_loop3A_62 = arith.constant 16 : i32
      %parallel_loop3A_63 = arith.muli %parallel_loop3A_61, %parallel_loop3A_62 : i32
      %parallel_loop3A_64 = arith.index_cast %parallel_loop3A_59 : i32 to index
      %parallel_loop3A_65 = arith.index_cast %parallel_loop3A_63 : i32 to index
      %parallel_loop3A_66 = tpu.vector_load %arg4[%parallel_loop3A_64, %parallel_loop3A_65] {strides = array<i32>} : memref<32x512xi32, #tpu.memory_space<vmem>>, vector<16xi32>,
      %parallel_loop3A_67 = arith.constant 65535 : i32
      %parallel_loop3A_68 = vector.broadcast %parallel_loop3A_67 : i32 to vector<16xi32>
      %parallel_loop3A_69 = arith.andi %parallel_loop3A_66, %parallel_loop3A_68 : vector<16xi32>
      %parallel_loop3A_70 = arith.constant 16 : i32
      %parallel_loop3A_71 = vector.broadcast %parallel_loop3A_70 : i32 to vector<16xi32>
      %parallel_loop3A_72 = arith.shrui %parallel_loop3A_66, %parallel_loop3A_71 : vector<16xi32>
      %parallel_loop3A_73 = arith.ori %parallel_loop3A_69, %iota3A : vector<16xi32>
      tpu.vector_store_idx %arg6[%parallel_loop3A_73], %broadcast_in_dim3A_7 {add = true} : memref<9728xi32, #tpu.memory_space<vmem>>[vector<16xi32>], vector<16xi32>,
      %parallel_loop3A_74 = arith.ori %parallel_loop3A_72, %iota3A : vector<16xi32>
      tpu.vector_store_idx %arg6[%parallel_loop3A_74], %broadcast_in_dim3A_7 {add = true} : memref<9728xi32, #tpu.memory_space<vmem>>[vector<16xi32>], vector<16xi32>,
    } {sc.loop_unroll_factor = 8 : i64, sc.parallel_access}
    %add3A_26 = arith.constant 32 : i32
    %add3A_27 = arith.addi %mul3A_2, %add3A_26 : i32
    %dma_wait3A_28 = arith.constant 0 : i32
    %dma_wait3A_29 = tpu.memref_slice %arg2[%add3A_27, %dma_wait3A_28] : memref<2048x512xi32, #tpu.memory_space<hbm>> -> memref<32x512xi32, #tpu.memory_space<hbm>>
    %dma_wait3A_30 = arith.constant 0 : i32
    %dma_wait3A_31 = tpu.memref_slice %arg2[%add3A_27, %dma_wait3A_30] : memref<2048x512xi32, #tpu.memory_space<hbm>> -> memref<32x512xi32, #tpu.memory_space<hbm>>
    tpu.wait_dma2 semaphore(%arg8 : memref<!tpu.dma_semaphore, #tpu.memory_space<semaphore_mem>>) src(%dma_wait3A_31 : memref<32x512xi32, #tpu.memory_space<hbm>>) dst(%arg5 : memref<32x512xi32, #tpu.memory_space<vmem>>)
    %parallel_loop3A_32 = arith.constant 0 : i32
    %parallel_loop3A_33 = arith.constant 1024 : i32
    %parallel_loop3A_34 = arith.constant 1 : i32
    scf.for %parallel_loop3A_35 = %parallel_loop3A_32 to %parallel_loop3A_33 step %parallel_loop3A_34  : i32 {
      %parallel_loop3A_36 = arith.constant 32 : i32
      %parallel_loop3A_37 = arith.divsi %parallel_loop3A_35, %parallel_loop3A_36 : i32
      %parallel_loop3A_38 = arith.constant 0 : i32
      %parallel_loop3A_39 = arith.cmpi sgt, %parallel_loop3A_35, %parallel_loop3A_38 : i32
      %parallel_loop3A_40 = arith.extui %parallel_loop3A_39 : i1 to i32
      %parallel_loop3A_41 = arith.constant 0 : i32
      %parallel_loop3A_42 = arith.cmpi slt, %parallel_loop3A_35, %parallel_loop3A_41 : i32
      %parallel_loop3A_43 = arith.extui %parallel_loop3A_42 : i1 to i32
      %parallel_loop3A_44 = arith.subi %parallel_loop3A_40, %parallel_loop3A_43 : i32
      %parallel_loop3A_45 = arith.constant 0 : i32
      %parallel_loop3A_46 = arith.cmpi sgt, %parallel_loop3A_36, %parallel_loop3A_45 : i32
      %parallel_loop3A_47 = arith.extui %parallel_loop3A_46 : i1 to i32
      %parallel_loop3A_48 = arith.constant 0 : i32
      %parallel_loop3A_49 = arith.cmpi slt, %parallel_loop3A_36, %parallel_loop3A_48 : i32
      %parallel_loop3A_50 = arith.extui %parallel_loop3A_49 : i1 to i32
      %parallel_loop3A_51 = arith.subi %parallel_loop3A_47, %parallel_loop3A_50 : i32
      %parallel_loop3A_52 = arith.cmpi ne, %parallel_loop3A_44, %parallel_loop3A_51 : i32
      %parallel_loop3A_53 = arith.remsi %parallel_loop3A_35, %parallel_loop3A_36 : i32
      %parallel_loop3A_54 = arith.constant 0 : i32
      %parallel_loop3A_55 = arith.cmpi ne, %parallel_loop3A_53, %parallel_loop3A_54 : i32
      %parallel_loop3A_56 = arith.andi %parallel_loop3A_52, %parallel_loop3A_55 : i1
      %parallel_loop3A_57 = arith.constant 1 : i32
      %parallel_loop3A_58 = arith.subi %parallel_loop3A_37, %parallel_loop3A_57 : i32
      %parallel_loop3A_59 = arith.select %parallel_loop3A_56, %parallel_loop3A_58, %parallel_loop3A_37 : i32
      %parallel_loop3A_60 = arith.constant 32 : i32
      %parallel_loop3A_61 = arith.remsi %parallel_loop3A_35, %parallel_loop3A_60 : i32
      %parallel_loop3A_62 = arith.constant 16 : i32
      %parallel_loop3A_63 = arith.muli %parallel_loop3A_61, %parallel_loop3A_62 : i32
      %parallel_loop3A_64 = arith.index_cast %parallel_loop3A_59 : i32 to index
      %parallel_loop3A_65 = arith.index_cast %parallel_loop3A_63 : i32 to index
      %parallel_loop3A_66 = tpu.vector_load %arg5[%parallel_loop3A_64, %parallel_loop3A_65] {strides = array<i32>} : memref<32x512xi32, #tpu.memory_space<vmem>>, vector<16xi32>,
      %parallel_loop3A_67 = arith.constant 65535 : i32
      %parallel_loop3A_68 = vector.broadcast %parallel_loop3A_67 : i32 to vector<16xi32>
      %parallel_loop3A_69 = arith.andi %parallel_loop3A_66, %parallel_loop3A_68 : vector<16xi32>
      %parallel_loop3A_70 = arith.constant 16 : i32
      %parallel_loop3A_71 = vector.broadcast %parallel_loop3A_70 : i32 to vector<16xi32>
      %parallel_loop3A_72 = arith.shrui %parallel_loop3A_66, %parallel_loop3A_71 : vector<16xi32>
      %parallel_loop3A_73 = arith.ori %parallel_loop3A_69, %iota3A : vector<16xi32>
      tpu.vector_store_idx %arg6[%parallel_loop3A_73], %broadcast_in_dim3A_7 {add = true} : memref<9728xi32, #tpu.memory_space<vmem>>[vector<16xi32>], vector<16xi32>,
      %parallel_loop3A_74 = arith.ori %parallel_loop3A_72, %iota3A : vector<16xi32>
      tpu.vector_store_idx %arg6[%parallel_loop3A_74], %broadcast_in_dim3A_7 {add = true} : memref<9728xi32, #tpu.memory_space<vmem>>[vector<16xi32>], vector<16xi32>,
    } {sc.loop_unroll_factor = 8 : i64, sc.parallel_access}
    "tpu.region"() ({
      %run_scoped3A = tpu.sem_alloc : memref<!tpu.dma_semaphore, #tpu.memory_space<semaphore_mem>>
      %dma_start3A_35 = arith.constant 0 : i32
      %dma_start3A_36 = tpu.memref_slice %arg3[%add3A, %dma_start3A_35] : memref<32x9728xi32, #tpu.memory_space<hbm>> -> memref<1x9728xi32, #tpu.memory_space<hbm>>
      %dma_start3A_37 = tpu.memref_squeeze %dma_start3A_36 : memref<1x9728xi32, #tpu.memory_space<hbm>> -> memref<9728xi32, #tpu.memory_space<hbm>>
      %dma_start3A_38 = arith.constant 0 : i32
      %dma_start3A_39 = tpu.memref_slice %arg3[%add3A, %dma_start3A_38] : memref<32x9728xi32, #tpu.memory_space<hbm>> -> memref<1x9728xi32, #tpu.memory_space<hbm>>
      %dma_start3A_40 = tpu.memref_squeeze %dma_start3A_39 : memref<1x9728xi32, #tpu.memory_space<hbm>> -> memref<9728xi32, #tpu.memory_space<hbm>>
      tpu.enqueue_dma source(%arg6 : memref<9728xi32, #tpu.memory_space<vmem>>) target(%dma_start3A_40 : memref<9728xi32, #tpu.memory_space<hbm>>) target_semaphore(%run_scoped3A : memref<!tpu.dma_semaphore, #tpu.memory_space<semaphore_mem>>)
      %dma_wait3A_41 = arith.constant 0 : i32
      %dma_wait3A_42 = tpu.memref_slice %arg3[%add3A, %dma_wait3A_41] : memref<32x9728xi32, #tpu.memory_space<hbm>> -> memref<1x9728xi32, #tpu.memory_space<hbm>>
      %dma_wait3A_43 = tpu.memref_squeeze %dma_wait3A_42 : memref<1x9728xi32, #tpu.memory_space<hbm>> -> memref<9728xi32, #tpu.memory_space<hbm>>
      %dma_wait3A_44 = arith.constant 0 : i32
      %dma_wait3A_45 = tpu.memref_slice %arg3[%add3A, %dma_wait3A_44] : memref<32x9728xi32, #tpu.memory_space<hbm>> -> memref<1x9728xi32, #tpu.memory_space<hbm>>
      %dma_wait3A_46 = tpu.memref_squeeze %dma_wait3A_45 : memref<1x9728xi32, #tpu.memory_space<hbm>> -> memref<9728xi32, #tpu.memory_space<hbm>>
      tpu.wait_dma2 semaphore(%run_scoped3A : memref<!tpu.dma_semaphore, #tpu.memory_space<semaphore_mem>>) src(%arg6 : memref<9728xi32, #tpu.memory_space<vmem>>) dst(%dma_wait3A_46 : memref<9728xi32, #tpu.memory_space<hbm>>)
      tpu.yield
    }) : () -> ()
    return
  }
}

module attributes {stable_mosaic.version = 14 : i64} {
  func.func @_final_body(%arg0: memref<32x9728xi32, #tpu.memory_space<vmem>>, %arg1: memref<1x1xf32, #tpu.memory_space<smem>>) attributes {dimension_semantics = [], scalar_prefetch = 0 : i64, scratch_operands = 0 : i64, tpu.core_type = #tpu.core_type<tc>} {
    %get3A = arith.constant 0 : index
    %get3A_0 = arith.constant 0 : index
    %get3A_1 = vector.load %arg0[%get3A, %get3A_0] : memref<32x9728xi32, #tpu.memory_space<vmem>>, vector<32x9728xi32>
    %reduce_sum3A = arith.constant dense<0> : vector<9728xi32>
    %reduce_sum3A_2 = vector.multi_reduction <add>, %get3A_1, %reduce_sum3A [0] : vector<32x9728xi32> to vector<9728xi32>
    %broadcast_in_dim3A = vector.shape_cast %reduce_sum3A_2 : vector<9728xi32> to vector<1x9728xi32>
    %slice3A = vector.extract_strided_slice %broadcast_in_dim3A {offsets = [0, 0], sizes = [1, 512], strides = [1, 1]} : vector<1x9728xi32> to vector<1x512xi32>
    %slice3A_3 = vector.extract_strided_slice %broadcast_in_dim3A {offsets = [0, 512], sizes = [1, 512], strides = [1, 1]} : vector<1x9728xi32> to vector<1x512xi32>
    %add3A = arith.addi %slice3A, %slice3A_3 : vector<1x512xi32>
    %slice3A_4 = vector.extract_strided_slice %broadcast_in_dim3A {offsets = [0, 1024], sizes = [1, 512], strides = [1, 1]} : vector<1x9728xi32> to vector<1x512xi32>
    %add3A_5 = arith.addi %add3A, %slice3A_4 : vector<1x512xi32>
    %slice3A_6 = vector.extract_strided_slice %broadcast_in_dim3A {offsets = [0, 1536], sizes = [1, 512], strides = [1, 1]} : vector<1x9728xi32> to vector<1x512xi32>
    %add3A_7 = arith.addi %add3A_5, %slice3A_6 : vector<1x512xi32>
    %slice3A_8 = vector.extract_strided_slice %broadcast_in_dim3A {offsets = [0, 2048], sizes = [1, 512], strides = [1, 1]} : vector<1x9728xi32> to vector<1x512xi32>
    %add3A_9 = arith.addi %add3A_7, %slice3A_8 : vector<1x512xi32>
    %slice3A_10 = vector.extract_strided_slice %broadcast_in_dim3A {offsets = [0, 2560], sizes = [1, 512], strides = [1, 1]} : vector<1x9728xi32> to vector<1x512xi32>
    %add3A_11 = arith.addi %add3A_9, %slice3A_10 : vector<1x512xi32>
    %slice3A_12 = vector.extract_strided_slice %broadcast_in_dim3A {offsets = [0, 3072], sizes = [1, 512], strides = [1, 1]} : vector<1x9728xi32> to vector<1x512xi32>
    %add3A_13 = arith.addi %add3A_11, %slice3A_12 : vector<1x512xi32>
    %slice3A_14 = vector.extract_strided_slice %broadcast_in_dim3A {offsets = [0, 3584], sizes = [1, 512], strides = [1, 1]} : vector<1x9728xi32> to vector<1x512xi32>
    %add3A_15 = arith.addi %add3A_13, %slice3A_14 : vector<1x512xi32>
    %slice3A_16 = vector.extract_strided_slice %broadcast_in_dim3A {offsets = [0, 4096], sizes = [1, 512], strides = [1, 1]} : vector<1x9728xi32> to vector<1x512xi32>
    %add3A_17 = arith.addi %add3A_15, %slice3A_16 : vector<1x512xi32>
    %slice3A_18 = vector.extract_strided_slice %broadcast_in_dim3A {offsets = [0, 4608], sizes = [1, 512], strides = [1, 1]} : vector<1x9728xi32> to vector<1x512xi32>
    %add3A_19 = arith.addi %add3A_17, %slice3A_18 : vector<1x512xi32>
    %slice3A_20 = vector.extract_strided_slice %broadcast_in_dim3A {offsets = [0, 5120], sizes = [1, 512], strides = [1, 1]} : vector<1x9728xi32> to vector<1x512xi32>
    %add3A_21 = arith.addi %add3A_19, %slice3A_20 : vector<1x512xi32>
    %slice3A_22 = vector.extract_strided_slice %broadcast_in_dim3A {offsets = [0, 5632], sizes = [1, 512], strides = [1, 1]} : vector<1x9728xi32> to vector<1x512xi32>
    %add3A_23 = arith.addi %add3A_21, %slice3A_22 : vector<1x512xi32>
    %slice3A_24 = vector.extract_strided_slice %broadcast_in_dim3A {offsets = [0, 6144], sizes = [1, 512], strides = [1, 1]} : vector<1x9728xi32> to vector<1x512xi32>
    %add3A_25 = arith.addi %add3A_23, %slice3A_24 : vector<1x512xi32>
    %slice3A_26 = vector.extract_strided_slice %broadcast_in_dim3A {offsets = [0, 6656], sizes = [1, 512], strides = [1, 1]} : vector<1x9728xi32> to vector<1x512xi32>
    %add3A_27 = arith.addi %add3A_25, %slice3A_26 : vector<1x512xi32>
    %slice3A_28 = vector.extract_strided_slice %broadcast_in_dim3A {offsets = [0, 7168], sizes = [1, 512], strides = [1, 1]} : vector<1x9728xi32> to vector<1x512xi32>
    %add3A_29 = arith.addi %add3A_27, %slice3A_28 : vector<1x512xi32>
    %slice3A_30 = vector.extract_strided_slice %broadcast_in_dim3A {offsets = [0, 7680], sizes = [1, 512], strides = [1, 1]} : vector<1x9728xi32> to vector<1x512xi32>
    %add3A_31 = arith.addi %add3A_29, %slice3A_30 : vector<1x512xi32>
    %slice3A_32 = vector.extract_strided_slice %broadcast_in_dim3A {offsets = [0, 8192], sizes = [1, 512], strides = [1, 1]} : vector<1x9728xi32> to vector<1x512xi32>
    %add3A_33 = arith.addi %add3A_31, %slice3A_32 : vector<1x512xi32>
    %slice3A_34 = vector.extract_strided_slice %broadcast_in_dim3A {offsets = [0, 8704], sizes = [1, 512], strides = [1, 1]} : vector<1x9728xi32> to vector<1x512xi32>
    %add3A_35 = arith.addi %add3A_33, %slice3A_34 : vector<1x512xi32>
    %slice3A_36 = vector.extract_strided_slice %broadcast_in_dim3A {offsets = [0, 9216], sizes = [1, 512], strides = [1, 1]} : vector<1x9728xi32> to vector<1x512xi32>
    %add3A_37 = arith.addi %add3A_35, %slice3A_36 : vector<1x512xi32>
    %slice3A_38 = vector.extract_strided_slice %broadcast_in_dim3A {offsets = [0, 0], sizes = [1, 512], strides = [1, 1]} : vector<1x9728xi32> to vector<1x512xi32>
    %reduce_sum3A_39 = vector.shape_cast %slice3A_38 : vector<1x512xi32> to vector<1x1x512xi32>
    %reduce_sum3A_40 = arith.constant dense<0> : vector<1xi32>
    %reduce_sum3A_41 = vector.multi_reduction <add>, %reduce_sum3A_39, %reduce_sum3A_40 [1, 2] : vector<1x1x512xi32> to vector<1xi32>
    %reduce_sum3A_42 = vector.shape_cast %reduce_sum3A_41 : vector<1xi32> to vector<1x1x1xi32>
    %reduce_sum3A_43 = vector.extract %reduce_sum3A_42[0, 0, 0] : i32 from vector<1x1x1xi32>
    %convert_element_type3A = arith.sitofp %reduce_sum3A_43 : i32 to f32
    %slice3A_44 = vector.extract_strided_slice %add3A_37 {offsets = [0, 0], sizes = [1, 16], strides = [1, 1]} : vector<1x512xi32> to vector<1x16xi32>
    %reduce_sum3A_45 = vector.shape_cast %slice3A_44 : vector<1x16xi32> to vector<1x1x16xi32>
    %reduce_sum3A_46 = arith.constant dense<0> : vector<1xi32>
    %reduce_sum3A_47 = vector.multi_reduction <add>, %reduce_sum3A_45, %reduce_sum3A_46 [1, 2] : vector<1x1x16xi32> to vector<1xi32>
    %reduce_sum3A_48 = vector.shape_cast %reduce_sum3A_47 : vector<1xi32> to vector<1x1x1xi32>
    %reduce_sum3A_49 = vector.extract %reduce_sum3A_48[0, 0, 0] : i32 from vector<1x1x1xi32>
    %convert_element_type3A_50 = arith.sitofp %reduce_sum3A_49 : i32 to f32
    %slice3A_51 = vector.extract_strided_slice %broadcast_in_dim3A {offsets = [0, 0], sizes = [1, 16], strides = [1, 1]} : vector<1x9728xi32> to vector<1x16xi32>
    %reduce_sum3A_52 = vector.shape_cast %slice3A_51 : vector<1x16xi32> to vector<1x1x16xi32>
    %reduce_sum3A_53 = arith.constant dense<0> : vector<1xi32>
    %reduce_sum3A_54 = vector.multi_reduction <add>, %reduce_sum3A_52, %reduce_sum3A_53 [1, 2] : vector<1x1x16xi32> to vector<1xi32>
    %reduce_sum3A_55 = vector.shape_cast %reduce_sum3A_54 : vector<1xi32> to vector<1x1x1xi32>
    %reduce_sum3A_56 = vector.extract %reduce_sum3A_55[0, 0, 0] : i32 from vector<1x1x1xi32>
    %convert_element_type3A_57 = arith.sitofp %reduce_sum3A_56 : i32 to f32
    %add3A_58 = arith.addf %convert_element_type3A, %convert_element_type3A_50 : f32
    %sub3A = arith.subf %add3A_58, %convert_element_type3A_57 : f32
    %gt3A = arith.constant 0.000000e+00 : f32
    %gt3A_59 = arith.cmpf ogt, %sub3A, %gt3A : f32
    %jit3A = arith.constant 1.000000e+00 : f32
    %select_n3A = arith.select %gt3A_59, %sub3A, %jit3A : f32
    %div3A = arith.divf %convert_element_type3A_57, %select_n3A : f32
    %jit3A_60 = arith.constant 0.000000e+00 : f32
    %select_n3A_61 = arith.select %gt3A_59, %div3A, %jit3A_60 : f32
    %add3A_62 = arith.constant 0.000000e+00 : f32
    %add3A_63 = arith.addf %add3A_62, %select_n3A_61 : f32
    %jit3A_64 = arith.constant 1.000000e+00 : f32
    %jit3A_65 = arith.constant 0.000000e+00 : f32
    %select_n3A_66 = arith.select %gt3A_59, %jit3A_64, %jit3A_65 : f32
    %add3A_67 = arith.constant 0.000000e+00 : f32
    %add3A_68 = arith.addf %add3A_67, %select_n3A_66 : f32
    %slice3A_69 = vector.extract_strided_slice %broadcast_in_dim3A {offsets = [0, 512], sizes = [1, 512], strides = [1, 1]} : vector<1x9728xi32> to vector<1x512xi32>
    %reduce_sum3A_70 = vector.shape_cast %slice3A_69 : vector<1x512xi32> to vector<1x1x512xi32>
    %reduce_sum3A_71 = arith.constant dense<0> : vector<1xi32>
    %reduce_sum3A_72 = vector.multi_reduction <add>, %reduce_sum3A_70, %reduce_sum3A_71 [1, 2] : vector<1x1x512xi32> to vector<1xi32>
    %reduce_sum3A_73 = vector.shape_cast %reduce_sum3A_72 : vector<1xi32> to vector<1x1x1xi32>
    %reduce_sum3A_74 = vector.extract %reduce_sum3A_73[0, 0, 0] : i32 from vector<1x1x1xi32>
    %convert_element_type3A_75 = arith.sitofp %reduce_sum3A_74 : i32 to f32
    %slice3A_76 = vector.extract_strided_slice %add3A_37 {offsets = [0, 16], sizes = [1, 16], strides = [1, 1]} : vector<1x512xi32> to vector<1x16xi32>
    %reduce_sum3A_77 = vector.shape_cast %slice3A_76 : vector<1x16xi32> to vector<1x1x16xi32>
    %reduce_sum3A_78 = arith.constant dense<0> : vector<1xi32>
    %reduce_sum3A_79 = vector.multi_reduction <add>, %reduce_sum3A_77, %reduce_sum3A_78 [1, 2] : vector<1x1x16xi32> to vector<1xi32>
    %reduce_sum3A_80 = vector.shape_cast %reduce_sum3A_79 : vector<1xi32> to vector<1x1x1xi32>
    %reduce_sum3A_81 = vector.extract %reduce_sum3A_80[0, 0, 0] : i32 from vector<1x1x1xi32>
    %convert_element_type3A_82 = arith.sitofp %reduce_sum3A_81 : i32 to f32
    %slice3A_83 = vector.extract_strided_slice %broadcast_in_dim3A {offsets = [0, 528], sizes = [1, 16], strides = [1, 1]} : vector<1x9728xi32> to vector<1x16xi32>
    %reduce_sum3A_84 = vector.shape_cast %slice3A_83 : vector<1x16xi32> to vector<1x1x16xi32>
    %reduce_sum3A_85 = arith.constant dense<0> : vector<1xi32>
    %reduce_sum3A_86 = vector.multi_reduction <add>, %reduce_sum3A_84, %reduce_sum3A_85 [1, 2] : vector<1x1x16xi32> to vector<1xi32>
    %reduce_sum3A_87 = vector.shape_cast %reduce_sum3A_86 : vector<1xi32> to vector<1x1x1xi32>
    %reduce_sum3A_88 = vector.extract %reduce_sum3A_87[0, 0, 0] : i32 from vector<1x1x1xi32>
    %convert_element_type3A_89 = arith.sitofp %reduce_sum3A_88 : i32 to f32
    %add3A_90 = arith.addf %convert_element_type3A_75, %convert_element_type3A_82 : f32
    %sub3A_91 = arith.subf %add3A_90, %convert_element_type3A_89 : f32
    %gt3A_92 = arith.constant 0.000000e+00 : f32
    %gt3A_93 = arith.cmpf ogt, %sub3A_91, %gt3A_92 : f32
    %jit3A_94 = arith.constant 1.000000e+00 : f32
    %select_n3A_95 = arith.select %gt3A_93, %sub3A_91, %jit3A_94 : f32
    %div3A_96 = arith.divf %convert_element_type3A_89, %select_n3A_95 : f32
    %jit3A_97 = arith.constant 0.000000e+00 : f32
    %select_n3A_98 = arith.select %gt3A_93, %div3A_96, %jit3A_97 : f32
    %add3A_99 = arith.addf %add3A_63, %select_n3A_98 : f32
    %jit3A_100 = arith.constant 1.000000e+00 : f32
    %jit3A_101 = arith.constant 0.000000e+00 : f32
    %select_n3A_102 = arith.select %gt3A_93, %jit3A_100, %jit3A_101 : f32
    %add3A_103 = arith.addf %add3A_68, %select_n3A_102 : f32
    %slice3A_104 = vector.extract_strided_slice %broadcast_in_dim3A {offsets = [0, 1024], sizes = [1, 512], strides = [1, 1]} : vector<1x9728xi32> to vector<1x512xi32>
    %reduce_sum3A_105 = vector.shape_cast %slice3A_104 : vector<1x512xi32> to vector<1x1x512xi32>
    %reduce_sum3A_106 = arith.constant dense<0> : vector<1xi32>
    %reduce_sum3A_107 = vector.multi_reduction <add>, %reduce_sum3A_105, %reduce_sum3A_106 [1, 2] : vector<1x1x512xi32> to vector<1xi32>
    %reduce_sum3A_108 = vector.shape_cast %reduce_sum3A_107 : vector<1xi32> to vector<1x1x1xi32>
    %reduce_sum3A_109 = vector.extract %reduce_sum3A_108[0, 0, 0] : i32 from vector<1x1x1xi32>
    %convert_element_type3A_110 = arith.sitofp %reduce_sum3A_109 : i32 to f32
    %slice3A_111 = vector.extract_strided_slice %add3A_37 {offsets = [0, 32], sizes = [1, 16], strides = [1, 1]} : vector<1x512xi32> to vector<1x16xi32>
    %reduce_sum3A_112 = vector.shape_cast %slice3A_111 : vector<1x16xi32> to vector<1x1x16xi32>
    %reduce_sum3A_113 = arith.constant dense<0> : vector<1xi32>
    %reduce_sum3A_114 = vector.multi_reduction <add>, %reduce_sum3A_112, %reduce_sum3A_113 [1, 2] : vector<1x1x16xi32> to vector<1xi32>
    %reduce_sum3A_115 = vector.shape_cast %reduce_sum3A_114 : vector<1xi32> to vector<1x1x1xi32>
    %reduce_sum3A_116 = vector.extract %reduce_sum3A_115[0, 0, 0] : i32 from vector<1x1x1xi32>
    %convert_element_type3A_117 = arith.sitofp %reduce_sum3A_116 : i32 to f32
    %slice3A_118 = vector.extract_strided_slice %broadcast_in_dim3A {offsets = [0, 1056], sizes = [1, 16], strides = [1, 1]} : vector<1x9728xi32> to vector<1x16xi32>
    %reduce_sum3A_119 = vector.shape_cast %slice3A_118 : vector<1x16xi32> to vector<1x1x16xi32>
    %reduce_sum3A_120 = arith.constant dense<0> : vector<1xi32>
    %reduce_sum3A_121 = vector.multi_reduction <add>, %reduce_sum3A_119, %reduce_sum3A_120 [1, 2] : vector<1x1x16xi32> to vector<1xi32>
    %reduce_sum3A_122 = vector.shape_cast %reduce_sum3A_121 : vector<1xi32> to vector<1x1x1xi32>
    %reduce_sum3A_123 = vector.extract %reduce_sum3A_122[0, 0, 0] : i32 from vector<1x1x1xi32>
    %convert_element_type3A_124 = arith.sitofp %reduce_sum3A_123 : i32 to f32
    %add3A_125 = arith.addf %convert_element_type3A_110, %convert_element_type3A_117 : f32
    %sub3A_126 = arith.subf %add3A_125, %convert_element_type3A_124 : f32
    %gt3A_127 = arith.constant 0.000000e+00 : f32
    %gt3A_128 = arith.cmpf ogt, %sub3A_126, %gt3A_127 : f32
    %jit3A_129 = arith.constant 1.000000e+00 : f32
    %select_n3A_130 = arith.select %gt3A_128, %sub3A_126, %jit3A_129 : f32
    %div3A_131 = arith.divf %convert_element_type3A_124, %select_n3A_130 : f32
    %jit3A_132 = arith.constant 0.000000e+00 : f32
    %select_n3A_133 = arith.select %gt3A_128, %div3A_131, %jit3A_132 : f32
    %add3A_134 = arith.addf %add3A_99, %select_n3A_133 : f32
    %jit3A_135 = arith.constant 1.000000e+00 : f32
    %jit3A_136 = arith.constant 0.000000e+00 : f32
    %select_n3A_137 = arith.select %gt3A_128, %jit3A_135, %jit3A_136 : f32
    %add3A_138 = arith.addf %add3A_103, %select_n3A_137 : f32
    %slice3A_139 = vector.extract_strided_slice %broadcast_in_dim3A {offsets = [0, 1536], sizes = [1, 512], strides = [1, 1]} : vector<1x9728xi32> to vector<1x512xi32>
    %reduce_sum3A_140 = vector.shape_cast %slice3A_139 : vector<1x512xi32> to vector<1x1x512xi32>
    %reduce_sum3A_141 = arith.constant dense<0> : vector<1xi32>
    %reduce_sum3A_142 = vector.multi_reduction <add>, %reduce_sum3A_140, %reduce_sum3A_141 [1, 2] : vector<1x1x512xi32> to vector<1xi32>
    %reduce_sum3A_143 = vector.shape_cast %reduce_sum3A_142 : vector<1xi32> to vector<1x1x1xi32>
    %reduce_sum3A_144 = vector.extract %reduce_sum3A_143[0, 0, 0] : i32 from vector<1x1x1xi32>
    %convert_element_type3A_145 = arith.sitofp %reduce_sum3A_144 : i32 to f32
    %slice3A_146 = vector.extract_strided_slice %add3A_37 {offsets = [0, 48], sizes = [1, 16], strides = [1, 1]} : vector<1x512xi32> to vector<1x16xi32>
    %reduce_sum3A_147 = vector.shape_cast %slice3A_146 : vector<1x16xi32> to vector<1x1x16xi32>
    %reduce_sum3A_148 = arith.constant dense<0> : vector<1xi32>
    %reduce_sum3A_149 = vector.multi_reduction <add>, %reduce_sum3A_147, %reduce_sum3A_148 [1, 2] : vector<1x1x16xi32> to vector<1xi32>
    %reduce_sum3A_150 = vector.shape_cast %reduce_sum3A_149 : vector<1xi32> to vector<1x1x1xi32>
    %reduce_sum3A_151 = vector.extract %reduce_sum3A_150[0, 0, 0] : i32 from vector<1x1x1xi32>
    %convert_element_type3A_152 = arith.sitofp %reduce_sum3A_151 : i32 to f32
    %slice3A_153 = vector.extract_strided_slice %broadcast_in_dim3A {offsets = [0, 1584], sizes = [1, 16], strides = [1, 1]} : vector<1x9728xi32> to vector<1x16xi32>
    %reduce_sum3A_154 = vector.shape_cast %slice3A_153 : vector<1x16xi32> to vector<1x1x16xi32>
    %reduce_sum3A_155 = arith.constant dense<0> : vector<1xi32>
    %reduce_sum3A_156 = vector.multi_reduction <add>, %reduce_sum3A_154, %reduce_sum3A_155 [1, 2] : vector<1x1x16xi32> to vector<1xi32>
    %reduce_sum3A_157 = vector.shape_cast %reduce_sum3A_156 : vector<1xi32> to vector<1x1x1xi32>
    %reduce_sum3A_158 = vector.extract %reduce_sum3A_157[0, 0, 0] : i32 from vector<1x1x1xi32>
    %convert_element_type3A_159 = arith.sitofp %reduce_sum3A_158 : i32 to f32
    %add3A_160 = arith.addf %convert_element_type3A_145, %convert_element_type3A_152 : f32
    %sub3A_161 = arith.subf %add3A_160, %convert_element_type3A_159 : f32
    %gt3A_162 = arith.constant 0.000000e+00 : f32
    %gt3A_163 = arith.cmpf ogt, %sub3A_161, %gt3A_162 : f32
    %jit3A_164 = arith.constant 1.000000e+00 : f32
    %select_n3A_165 = arith.select %gt3A_163, %sub3A_161, %jit3A_164 : f32
    %div3A_166 = arith.divf %convert_element_type3A_159, %select_n3A_165 : f32
    %jit3A_167 = arith.constant 0.000000e+00 : f32
    %select_n3A_168 = arith.select %gt3A_163, %div3A_166, %jit3A_167 : f32
    %add3A_169 = arith.addf %add3A_134, %select_n3A_168 : f32
    %jit3A_170 = arith.constant 1.000000e+00 : f32
    %jit3A_171 = arith.constant 0.000000e+00 : f32
    %select_n3A_172 = arith.select %gt3A_163, %jit3A_170, %jit3A_171 : f32
    %add3A_173 = arith.addf %add3A_138, %select_n3A_172 : f32
    %slice3A_174 = vector.extract_strided_slice %broadcast_in_dim3A {offsets = [0, 2048], sizes = [1, 512], strides = [1, 1]} : vector<1x9728xi32> to vector<1x512xi32>
    %reduce_sum3A_175 = vector.shape_cast %slice3A_174 : vector<1x512xi32> to vector<1x1x512xi32>
    %reduce_sum3A_176 = arith.constant dense<0> : vector<1xi32>
    %reduce_sum3A_177 = vector.multi_reduction <add>, %reduce_sum3A_175, %reduce_sum3A_176 [1, 2] : vector<1x1x512xi32> to vector<1xi32>
    %reduce_sum3A_178 = vector.shape_cast %reduce_sum3A_177 : vector<1xi32> to vector<1x1x1xi32>
    %reduce_sum3A_179 = vector.extract %reduce_sum3A_178[0, 0, 0] : i32 from vector<1x1x1xi32>
    %convert_element_type3A_180 = arith.sitofp %reduce_sum3A_179 : i32 to f32
    %slice3A_181 = vector.extract_strided_slice %add3A_37 {offsets = [0, 64], sizes = [1, 16], strides = [1, 1]} : vector<1x512xi32> to vector<1x16xi32>
    %reduce_sum3A_182 = vector.shape_cast %slice3A_181 : vector<1x16xi32> to vector<1x1x16xi32>
    %reduce_sum3A_183 = arith.constant dense<0> : vector<1xi32>
    %reduce_sum3A_184 = vector.multi_reduction <add>, %reduce_sum3A_182, %reduce_sum3A_183 [1, 2] : vector<1x1x16xi32> to vector<1xi32>
    %reduce_sum3A_185 = vector.shape_cast %reduce_sum3A_184 : vector<1xi32> to vector<1x1x1xi32>
    %reduce_sum3A_186 = vector.extract %reduce_sum3A_185[0, 0, 0] : i32 from vector<1x1x1xi32>
    %convert_element_type3A_187 = arith.sitofp %reduce_sum3A_186 : i32 to f32
    %slice3A_188 = vector.extract_strided_slice %broadcast_in_dim3A {offsets = [0, 2112], sizes = [1, 16], strides = [1, 1]} : vector<1x9728xi32> to vector<1x16xi32>
    %reduce_sum3A_189 = vector.shape_cast %slice3A_188 : vector<1x16xi32> to vector<1x1x16xi32>
    %reduce_sum3A_190 = arith.constant dense<0> : vector<1xi32>
    %reduce_sum3A_191 = vector.multi_reduction <add>, %reduce_sum3A_189, %reduce_sum3A_190 [1, 2] : vector<1x1x16xi32> to vector<1xi32>
    %reduce_sum3A_192 = vector.shape_cast %reduce_sum3A_191 : vector<1xi32> to vector<1x1x1xi32>
    %reduce_sum3A_193 = vector.extract %reduce_sum3A_192[0, 0, 0] : i32 from vector<1x1x1xi32>
    %convert_element_type3A_194 = arith.sitofp %reduce_sum3A_193 : i32 to f32
    %add3A_195 = arith.addf %convert_element_type3A_180, %convert_element_type3A_187 : f32
    %sub3A_196 = arith.subf %add3A_195, %convert_element_type3A_194 : f32
    %gt3A_197 = arith.constant 0.000000e+00 : f32
    %gt3A_198 = arith.cmpf ogt, %sub3A_196, %gt3A_197 : f32
    %jit3A_199 = arith.constant 1.000000e+00 : f32
    %select_n3A_200 = arith.select %gt3A_198, %sub3A_196, %jit3A_199 : f32
    %div3A_201 = arith.divf %convert_element_type3A_194, %select_n3A_200 : f32
    %jit3A_202 = arith.constant 0.000000e+00 : f32
    %select_n3A_203 = arith.select %gt3A_198, %div3A_201, %jit3A_202 : f32
    %add3A_204 = arith.addf %add3A_169, %select_n3A_203 : f32
    %jit3A_205 = arith.constant 1.000000e+00 : f32
    %jit3A_206 = arith.constant 0.000000e+00 : f32
    %select_n3A_207 = arith.select %gt3A_198, %jit3A_205, %jit3A_206 : f32
    %add3A_208 = arith.addf %add3A_173, %select_n3A_207 : f32
    %slice3A_209 = vector.extract_strided_slice %broadcast_in_dim3A {offsets = [0, 2560], sizes = [1, 512], strides = [1, 1]} : vector<1x9728xi32> to vector<1x512xi32>
    %reduce_sum3A_210 = vector.shape_cast %slice3A_209 : vector<1x512xi32> to vector<1x1x512xi32>
    %reduce_sum3A_211 = arith.constant dense<0> : vector<1xi32>
    %reduce_sum3A_212 = vector.multi_reduction <add>, %reduce_sum3A_210, %reduce_sum3A_211 [1, 2] : vector<1x1x512xi32> to vector<1xi32>
    %reduce_sum3A_213 = vector.shape_cast %reduce_sum3A_212 : vector<1xi32> to vector<1x1x1xi32>
    %reduce_sum3A_214 = vector.extract %reduce_sum3A_213[0, 0, 0] : i32 from vector<1x1x1xi32>
    %convert_element_type3A_215 = arith.sitofp %reduce_sum3A_214 : i32 to f32
    %slice3A_216 = vector.extract_strided_slice %add3A_37 {offsets = [0, 80], sizes = [1, 16], strides = [1, 1]} : vector<1x512xi32> to vector<1x16xi32>
    %reduce_sum3A_217 = vector.shape_cast %slice3A_216 : vector<1x16xi32> to vector<1x1x16xi32>
    %reduce_sum3A_218 = arith.constant dense<0> : vector<1xi32>
    %reduce_sum3A_219 = vector.multi_reduction <add>, %reduce_sum3A_217, %reduce_sum3A_218 [1, 2] : vector<1x1x16xi32> to vector<1xi32>
    %reduce_sum3A_220 = vector.shape_cast %reduce_sum3A_219 : vector<1xi32> to vector<1x1x1xi32>
    %reduce_sum3A_221 = vector.extract %reduce_sum3A_220[0, 0, 0] : i32 from vector<1x1x1xi32>
    %convert_element_type3A_222 = arith.sitofp %reduce_sum3A_221 : i32 to f32
    %slice3A_223 = vector.extract_strided_slice %broadcast_in_dim3A {offsets = [0, 2640], sizes = [1, 16], strides = [1, 1]} : vector<1x9728xi32> to vector<1x16xi32>
    %reduce_sum3A_224 = vector.shape_cast %slice3A_223 : vector<1x16xi32> to vector<1x1x16xi32>
    %reduce_sum3A_225 = arith.constant dense<0> : vector<1xi32>
    %reduce_sum3A_226 = vector.multi_reduction <add>, %reduce_sum3A_224, %reduce_sum3A_225 [1, 2] : vector<1x1x16xi32> to vector<1xi32>
    %reduce_sum3A_227 = vector.shape_cast %reduce_sum3A_226 : vector<1xi32> to vector<1x1x1xi32>
    %reduce_sum3A_228 = vector.extract %reduce_sum3A_227[0, 0, 0] : i32 from vector<1x1x1xi32>
    %convert_element_type3A_229 = arith.sitofp %reduce_sum3A_228 : i32 to f32
    %add3A_230 = arith.addf %convert_element_type3A_215, %convert_element_type3A_222 : f32
    %sub3A_231 = arith.subf %add3A_230, %convert_element_type3A_229 : f32
    %gt3A_232 = arith.constant 0.000000e+00 : f32
    %gt3A_233 = arith.cmpf ogt, %sub3A_231, %gt3A_232 : f32
    %jit3A_234 = arith.constant 1.000000e+00 : f32
    %select_n3A_235 = arith.select %gt3A_233, %sub3A_231, %jit3A_234 : f32
    %div3A_236 = arith.divf %convert_element_type3A_229, %select_n3A_235 : f32
    %jit3A_237 = arith.constant 0.000000e+00 : f32
    %select_n3A_238 = arith.select %gt3A_233, %div3A_236, %jit3A_237 : f32
    %add3A_239 = arith.addf %add3A_204, %select_n3A_238 : f32
    %jit3A_240 = arith.constant 1.000000e+00 : f32
    %jit3A_241 = arith.constant 0.000000e+00 : f32
    %select_n3A_242 = arith.select %gt3A_233, %jit3A_240, %jit3A_241 : f32
    %add3A_243 = arith.addf %add3A_208, %select_n3A_242 : f32
    %slice3A_244 = vector.extract_strided_slice %broadcast_in_dim3A {offsets = [0, 3072], sizes = [1, 512], strides = [1, 1]} : vector<1x9728xi32> to vector<1x512xi32>
    %reduce_sum3A_245 = vector.shape_cast %slice3A_244 : vector<1x512xi32> to vector<1x1x512xi32>
    %reduce_sum3A_246 = arith.constant dense<0> : vector<1xi32>
    %reduce_sum3A_247 = vector.multi_reduction <add>, %reduce_sum3A_245, %reduce_sum3A_246 [1, 2] : vector<1x1x512xi32> to vector<1xi32>
    %reduce_sum3A_248 = vector.shape_cast %reduce_sum3A_247 : vector<1xi32> to vector<1x1x1xi32>
    %reduce_sum3A_249 = vector.extract %reduce_sum3A_248[0, 0, 0] : i32 from vector<1x1x1xi32>
    %convert_element_type3A_250 = arith.sitofp %reduce_sum3A_249 : i32 to f32
    %slice3A_251 = vector.extract_strided_slice %add3A_37 {offsets = [0, 96], sizes = [1, 16], strides = [1, 1]} : vector<1x512xi32> to vector<1x16xi32>
    %reduce_sum3A_252 = vector.shape_cast %slice3A_251 : vector<1x16xi32> to vector<1x1x16xi32>
    %reduce_sum3A_253 = arith.constant dense<0> : vector<1xi32>
    %reduce_sum3A_254 = vector.multi_reduction <add>, %reduce_sum3A_252, %reduce_sum3A_253 [1, 2] : vector<1x1x16xi32> to vector<1xi32>
    %reduce_sum3A_255 = vector.shape_cast %reduce_sum3A_254 : vector<1xi32> to vector<1x1x1xi32>
    %reduce_sum3A_256 = vector.extract %reduce_sum3A_255[0, 0, 0] : i32 from vector<1x1x1xi32>
    %convert_element_type3A_257 = arith.sitofp %reduce_sum3A_256 : i32 to f32
    %slice3A_258 = vector.extract_strided_slice %broadcast_in_dim3A {offsets = [0, 3168], sizes = [1, 16], strides = [1, 1]} : vector<1x9728xi32> to vector<1x16xi32>
    %reduce_sum3A_259 = vector.shape_cast %slice3A_258 : vector<1x16xi32> to vector<1x1x16xi32>
    %reduce_sum3A_260 = arith.constant dense<0> : vector<1xi32>
    %reduce_sum3A_261 = vector.multi_reduction <add>, %reduce_sum3A_259, %reduce_sum3A_260 [1, 2] : vector<1x1x16xi32> to vector<1xi32>
    %reduce_sum3A_262 = vector.shape_cast %reduce_sum3A_261 : vector<1xi32> to vector<1x1x1xi32>
    %reduce_sum3A_263 = vector.extract %reduce_sum3A_262[0, 0, 0] : i32 from vector<1x1x1xi32>
    %convert_element_type3A_264 = arith.sitofp %reduce_sum3A_263 : i32 to f32
    %add3A_265 = arith.addf %convert_element_type3A_250, %convert_element_type3A_257 : f32
    %sub3A_266 = arith.subf %add3A_265, %convert_element_type3A_264 : f32
    %gt3A_267 = arith.constant 0.000000e+00 : f32
    %gt3A_268 = arith.cmpf ogt, %sub3A_266, %gt3A_267 : f32
    %jit3A_269 = arith.constant 1.000000e+00 : f32
    %select_n3A_270 = arith.select %gt3A_268, %sub3A_266, %jit3A_269 : f32
    %div3A_271 = arith.divf %convert_element_type3A_264, %select_n3A_270 : f32
    %jit3A_272 = arith.constant 0.000000e+00 : f32
    %select_n3A_273 = arith.select %gt3A_268, %div3A_271, %jit3A_272 : f32
    %add3A_274 = arith.addf %add3A_239, %select_n3A_273 : f32
    %jit3A_275 = arith.constant 1.000000e+00 : f32
    %jit3A_276 = arith.constant 0.000000e+00 : f32
    %select_n3A_277 = arith.select %gt3A_268, %jit3A_275, %jit3A_276 : f32
    %add3A_278 = arith.addf %add3A_243, %select_n3A_277 : f32
    %slice3A_279 = vector.extract_strided_slice %broadcast_in_dim3A {offsets = [0, 3584], sizes = [1, 512], strides = [1, 1]} : vector<1x9728xi32> to vector<1x512xi32>
    %reduce_sum3A_280 = vector.shape_cast %slice3A_279 : vector<1x512xi32> to vector<1x1x512xi32>
    %reduce_sum3A_281 = arith.constant dense<0> : vector<1xi32>
    %reduce_sum3A_282 = vector.multi_reduction <add>, %reduce_sum3A_280, %reduce_sum3A_281 [1, 2] : vector<1x1x512xi32> to vector<1xi32>
    %reduce_sum3A_283 = vector.shape_cast %reduce_sum3A_282 : vector<1xi32> to vector<1x1x1xi32>
    %reduce_sum3A_284 = vector.extract %reduce_sum3A_283[0, 0, 0] : i32 from vector<1x1x1xi32>
    %convert_element_type3A_285 = arith.sitofp %reduce_sum3A_284 : i32 to f32
    %slice3A_286 = vector.extract_strided_slice %add3A_37 {offsets = [0, 112], sizes = [1, 16], strides = [1, 1]} : vector<1x512xi32> to vector<1x16xi32>
    %reduce_sum3A_287 = vector.shape_cast %slice3A_286 : vector<1x16xi32> to vector<1x1x16xi32>
    %reduce_sum3A_288 = arith.constant dense<0> : vector<1xi32>
    %reduce_sum3A_289 = vector.multi_reduction <add>, %reduce_sum3A_287, %reduce_sum3A_288 [1, 2] : vector<1x1x16xi32> to vector<1xi32>
    %reduce_sum3A_290 = vector.shape_cast %reduce_sum3A_289 : vector<1xi32> to vector<1x1x1xi32>
    %reduce_sum3A_291 = vector.extract %reduce_sum3A_290[0, 0, 0] : i32 from vector<1x1x1xi32>
    %convert_element_type3A_292 = arith.sitofp %reduce_sum3A_291 : i32 to f32
    %slice3A_293 = vector.extract_strided_slice %broadcast_in_dim3A {offsets = [0, 3696], sizes = [1, 16], strides = [1, 1]} : vector<1x9728xi32> to vector<1x16xi32>
    %reduce_sum3A_294 = vector.shape_cast %slice3A_293 : vector<1x16xi32> to vector<1x1x16xi32>
    %reduce_sum3A_295 = arith.constant dense<0> : vector<1xi32>
    %reduce_sum3A_296 = vector.multi_reduction <add>, %reduce_sum3A_294, %reduce_sum3A_295 [1, 2] : vector<1x1x16xi32> to vector<1xi32>
    %reduce_sum3A_297 = vector.shape_cast %reduce_sum3A_296 : vector<1xi32> to vector<1x1x1xi32>
    %reduce_sum3A_298 = vector.extract %reduce_sum3A_297[0, 0, 0] : i32 from vector<1x1x1xi32>
    %convert_element_type3A_299 = arith.sitofp %reduce_sum3A_298 : i32 to f32
    %add3A_300 = arith.addf %convert_element_type3A_285, %convert_element_type3A_292 : f32
    %sub3A_301 = arith.subf %add3A_300, %convert_element_type3A_299 : f32
    %gt3A_302 = arith.constant 0.000000e+00 : f32
    %gt3A_303 = arith.cmpf ogt, %sub3A_301, %gt3A_302 : f32
    %jit3A_304 = arith.constant 1.000000e+00 : f32
    %select_n3A_305 = arith.select %gt3A_303, %sub3A_301, %jit3A_304 : f32
    %div3A_306 = arith.divf %convert_element_type3A_299, %select_n3A_305 : f32
    %jit3A_307 = arith.constant 0.000000e+00 : f32
    %select_n3A_308 = arith.select %gt3A_303, %div3A_306, %jit3A_307 : f32
    %add3A_309 = arith.addf %add3A_274, %select_n3A_308 : f32
    %jit3A_310 = arith.constant 1.000000e+00 : f32
    %jit3A_311 = arith.constant 0.000000e+00 : f32
    %select_n3A_312 = arith.select %gt3A_303, %jit3A_310, %jit3A_311 : f32
    %add3A_313 = arith.addf %add3A_278, %select_n3A_312 : f32
    %slice3A_314 = vector.extract_strided_slice %broadcast_in_dim3A {offsets = [0, 4096], sizes = [1, 512], strides = [1, 1]} : vector<1x9728xi32> to vector<1x512xi32>
    %reduce_sum3A_315 = vector.shape_cast %slice3A_314 : vector<1x512xi32> to vector<1x1x512xi32>
    %reduce_sum3A_316 = arith.constant dense<0> : vector<1xi32>
    %reduce_sum3A_317 = vector.multi_reduction <add>, %reduce_sum3A_315, %reduce_sum3A_316 [1, 2] : vector<1x1x512xi32> to vector<1xi32>
    %reduce_sum3A_318 = vector.shape_cast %reduce_sum3A_317 : vector<1xi32> to vector<1x1x1xi32>
    %reduce_sum3A_319 = vector.extract %reduce_sum3A_318[0, 0, 0] : i32 from vector<1x1x1xi32>
    %convert_element_type3A_320 = arith.sitofp %reduce_sum3A_319 : i32 to f32
    %slice3A_321 = vector.extract_strided_slice %add3A_37 {offsets = [0, 128], sizes = [1, 16], strides = [1, 1]} : vector<1x512xi32> to vector<1x16xi32>
    %reduce_sum3A_322 = vector.shape_cast %slice3A_321 : vector<1x16xi32> to vector<1x1x16xi32>
    %reduce_sum3A_323 = arith.constant dense<0> : vector<1xi32>
    %reduce_sum3A_324 = vector.multi_reduction <add>, %reduce_sum3A_322, %reduce_sum3A_323 [1, 2] : vector<1x1x16xi32> to vector<1xi32>
    %reduce_sum3A_325 = vector.shape_cast %reduce_sum3A_324 : vector<1xi32> to vector<1x1x1xi32>
    %reduce_sum3A_326 = vector.extract %reduce_sum3A_325[0, 0, 0] : i32 from vector<1x1x1xi32>
    %convert_element_type3A_327 = arith.sitofp %reduce_sum3A_326 : i32 to f32
    %slice3A_328 = vector.extract_strided_slice %broadcast_in_dim3A {offsets = [0, 4224], sizes = [1, 16], strides = [1, 1]} : vector<1x9728xi32> to vector<1x16xi32>
    %reduce_sum3A_329 = vector.shape_cast %slice3A_328 : vector<1x16xi32> to vector<1x1x16xi32>
    %reduce_sum3A_330 = arith.constant dense<0> : vector<1xi32>
    %reduce_sum3A_331 = vector.multi_reduction <add>, %reduce_sum3A_329, %reduce_sum3A_330 [1, 2] : vector<1x1x16xi32> to vector<1xi32>
    %reduce_sum3A_332 = vector.shape_cast %reduce_sum3A_331 : vector<1xi32> to vector<1x1x1xi32>
    %reduce_sum3A_333 = vector.extract %reduce_sum3A_332[0, 0, 0] : i32 from vector<1x1x1xi32>
    %convert_element_type3A_334 = arith.sitofp %reduce_sum3A_333 : i32 to f32
    %add3A_335 = arith.addf %convert_element_type3A_320, %convert_element_type3A_327 : f32
    %sub3A_336 = arith.subf %add3A_335, %convert_element_type3A_334 : f32
    %gt3A_337 = arith.constant 0.000000e+00 : f32
    %gt3A_338 = arith.cmpf ogt, %sub3A_336, %gt3A_337 : f32
    %jit3A_339 = arith.constant 1.000000e+00 : f32
    %select_n3A_340 = arith.select %gt3A_338, %sub3A_336, %jit3A_339 : f32
    %div3A_341 = arith.divf %convert_element_type3A_334, %select_n3A_340 : f32
    %jit3A_342 = arith.constant 0.000000e+00 : f32
    %select_n3A_343 = arith.select %gt3A_338, %div3A_341, %jit3A_342 : f32
    %add3A_344 = arith.addf %add3A_309, %select_n3A_343 : f32
    %jit3A_345 = arith.constant 1.000000e+00 : f32
    %jit3A_346 = arith.constant 0.000000e+00 : f32
    %select_n3A_347 = arith.select %gt3A_338, %jit3A_345, %jit3A_346 : f32
    %add3A_348 = arith.addf %add3A_313, %select_n3A_347 : f32
    %slice3A_349 = vector.extract_strided_slice %broadcast_in_dim3A {offsets = [0, 4608], sizes = [1, 512], strides = [1, 1]} : vector<1x9728xi32> to vector<1x512xi32>
    %reduce_sum3A_350 = vector.shape_cast %slice3A_349 : vector<1x512xi32> to vector<1x1x512xi32>
    %reduce_sum3A_351 = arith.constant dense<0> : vector<1xi32>
    %reduce_sum3A_352 = vector.multi_reduction <add>, %reduce_sum3A_350, %reduce_sum3A_351 [1, 2] : vector<1x1x512xi32> to vector<1xi32>
    %reduce_sum3A_353 = vector.shape_cast %reduce_sum3A_352 : vector<1xi32> to vector<1x1x1xi32>
    %reduce_sum3A_354 = vector.extract %reduce_sum3A_353[0, 0, 0] : i32 from vector<1x1x1xi32>
    %convert_element_type3A_355 = arith.sitofp %reduce_sum3A_354 : i32 to f32
    %slice3A_356 = vector.extract_strided_slice %add3A_37 {offsets = [0, 144], sizes = [1, 16], strides = [1, 1]} : vector<1x512xi32> to vector<1x16xi32>
    %reduce_sum3A_357 = vector.shape_cast %slice3A_356 : vector<1x16xi32> to vector<1x1x16xi32>
    %reduce_sum3A_358 = arith.constant dense<0> : vector<1xi32>
    %reduce_sum3A_359 = vector.multi_reduction <add>, %reduce_sum3A_357, %reduce_sum3A_358 [1, 2] : vector<1x1x16xi32> to vector<1xi32>
    %reduce_sum3A_360 = vector.shape_cast %reduce_sum3A_359 : vector<1xi32> to vector<1x1x1xi32>
    %reduce_sum3A_361 = vector.extract %reduce_sum3A_360[0, 0, 0] : i32 from vector<1x1x1xi32>
    %convert_element_type3A_362 = arith.sitofp %reduce_sum3A_361 : i32 to f32
    %slice3A_363 = vector.extract_strided_slice %broadcast_in_dim3A {offsets = [0, 4752], sizes = [1, 16], strides = [1, 1]} : vector<1x9728xi32> to vector<1x16xi32>
    %reduce_sum3A_364 = vector.shape_cast %slice3A_363 : vector<1x16xi32> to vector<1x1x16xi32>
    %reduce_sum3A_365 = arith.constant dense<0> : vector<1xi32>
    %reduce_sum3A_366 = vector.multi_reduction <add>, %reduce_sum3A_364, %reduce_sum3A_365 [1, 2] : vector<1x1x16xi32> to vector<1xi32>
    %reduce_sum3A_367 = vector.shape_cast %reduce_sum3A_366 : vector<1xi32> to vector<1x1x1xi32>
    %reduce_sum3A_368 = vector.extract %reduce_sum3A_367[0, 0, 0] : i32 from vector<1x1x1xi32>
    %convert_element_type3A_369 = arith.sitofp %reduce_sum3A_368 : i32 to f32
    %add3A_370 = arith.addf %convert_element_type3A_355, %convert_element_type3A_362 : f32
    %sub3A_371 = arith.subf %add3A_370, %convert_element_type3A_369 : f32
    %gt3A_372 = arith.constant 0.000000e+00 : f32
    %gt3A_373 = arith.cmpf ogt, %sub3A_371, %gt3A_372 : f32
    %jit3A_374 = arith.constant 1.000000e+00 : f32
    %select_n3A_375 = arith.select %gt3A_373, %sub3A_371, %jit3A_374 : f32
    %div3A_376 = arith.divf %convert_element_type3A_369, %select_n3A_375 : f32
    %jit3A_377 = arith.constant 0.000000e+00 : f32
    %select_n3A_378 = arith.select %gt3A_373, %div3A_376, %jit3A_377 : f32
    %add3A_379 = arith.addf %add3A_344, %select_n3A_378 : f32
    %jit3A_380 = arith.constant 1.000000e+00 : f32
    %jit3A_381 = arith.constant 0.000000e+00 : f32
    %select_n3A_382 = arith.select %gt3A_373, %jit3A_380, %jit3A_381 : f32
    %add3A_383 = arith.addf %add3A_348, %select_n3A_382 : f32
    %slice3A_384 = vector.extract_strided_slice %broadcast_in_dim3A {offsets = [0, 5120], sizes = [1, 512], strides = [1, 1]} : vector<1x9728xi32> to vector<1x512xi32>
    %reduce_sum3A_385 = vector.shape_cast %slice3A_384 : vector<1x512xi32> to vector<1x1x512xi32>
    %reduce_sum3A_386 = arith.constant dense<0> : vector<1xi32>
    %reduce_sum3A_387 = vector.multi_reduction <add>, %reduce_sum3A_385, %reduce_sum3A_386 [1, 2] : vector<1x1x512xi32> to vector<1xi32>
    %reduce_sum3A_388 = vector.shape_cast %reduce_sum3A_387 : vector<1xi32> to vector<1x1x1xi32>
    %reduce_sum3A_389 = vector.extract %reduce_sum3A_388[0, 0, 0] : i32 from vector<1x1x1xi32>
    %convert_element_type3A_390 = arith.sitofp %reduce_sum3A_389 : i32 to f32
    %slice3A_391 = vector.extract_strided_slice %add3A_37 {offsets = [0, 160], sizes = [1, 16], strides = [1, 1]} : vector<1x512xi32> to vector<1x16xi32>
    %reduce_sum3A_392 = vector.shape_cast %slice3A_391 : vector<1x16xi32> to vector<1x1x16xi32>
    %reduce_sum3A_393 = arith.constant dense<0> : vector<1xi32>
    %reduce_sum3A_394 = vector.multi_reduction <add>, %reduce_sum3A_392, %reduce_sum3A_393 [1, 2] : vector<1x1x16xi32> to vector<1xi32>
    %reduce_sum3A_395 = vector.shape_cast %reduce_sum3A_394 : vector<1xi32> to vector<1x1x1xi32>
    %reduce_sum3A_396 = vector.extract %reduce_sum3A_395[0, 0, 0] : i32 from vector<1x1x1xi32>
    %convert_element_type3A_397 = arith.sitofp %reduce_sum3A_396 : i32 to f32
    %slice3A_398 = vector.extract_strided_slice %broadcast_in_dim3A {offsets = [0, 5280], sizes = [1, 16], strides = [1, 1]} : vector<1x9728xi32> to vector<1x16xi32>
    %reduce_sum3A_399 = vector.shape_cast %slice3A_398 : vector<1x16xi32> to vector<1x1x16xi32>
    %reduce_sum3A_400 = arith.constant dense<0> : vector<1xi32>
    %reduce_sum3A_401 = vector.multi_reduction <add>, %reduce_sum3A_399, %reduce_sum3A_400 [1, 2] : vector<1x1x16xi32> to vector<1xi32>
    %reduce_sum3A_402 = vector.shape_cast %reduce_sum3A_401 : vector<1xi32> to vector<1x1x1xi32>
    %reduce_sum3A_403 = vector.extract %reduce_sum3A_402[0, 0, 0] : i32 from vector<1x1x1xi32>
    %convert_element_type3A_404 = arith.sitofp %reduce_sum3A_403 : i32 to f32
    %add3A_405 = arith.addf %convert_element_type3A_390, %convert_element_type3A_397 : f32
    %sub3A_406 = arith.subf %add3A_405, %convert_element_type3A_404 : f32
    %gt3A_407 = arith.constant 0.000000e+00 : f32
    %gt3A_408 = arith.cmpf ogt, %sub3A_406, %gt3A_407 : f32
    %jit3A_409 = arith.constant 1.000000e+00 : f32
    %select_n3A_410 = arith.select %gt3A_408, %sub3A_406, %jit3A_409 : f32
    %div3A_411 = arith.divf %convert_element_type3A_404, %select_n3A_410 : f32
    %jit3A_412 = arith.constant 0.000000e+00 : f32
    %select_n3A_413 = arith.select %gt3A_408, %div3A_411, %jit3A_412 : f32
    %add3A_414 = arith.addf %add3A_379, %select_n3A_413 : f32
    %jit3A_415 = arith.constant 1.000000e+00 : f32
    %jit3A_416 = arith.constant 0.000000e+00 : f32
    %select_n3A_417 = arith.select %gt3A_408, %jit3A_415, %jit3A_416 : f32
    %add3A_418 = arith.addf %add3A_383, %select_n3A_417 : f32
    %slice3A_419 = vector.extract_strided_slice %broadcast_in_dim3A {offsets = [0, 5632], sizes = [1, 512], strides = [1, 1]} : vector<1x9728xi32> to vector<1x512xi32>
    %reduce_sum3A_420 = vector.shape_cast %slice3A_419 : vector<1x512xi32> to vector<1x1x512xi32>
    %reduce_sum3A_421 = arith.constant dense<0> : vector<1xi32>
    %reduce_sum3A_422 = vector.multi_reduction <add>, %reduce_sum3A_420, %reduce_sum3A_421 [1, 2] : vector<1x1x512xi32> to vector<1xi32>
    %reduce_sum3A_423 = vector.shape_cast %reduce_sum3A_422 : vector<1xi32> to vector<1x1x1xi32>
    %reduce_sum3A_424 = vector.extract %reduce_sum3A_423[0, 0, 0] : i32 from vector<1x1x1xi32>
    %convert_element_type3A_425 = arith.sitofp %reduce_sum3A_424 : i32 to f32
    %slice3A_426 = vector.extract_strided_slice %add3A_37 {offsets = [0, 176], sizes = [1, 16], strides = [1, 1]} : vector<1x512xi32> to vector<1x16xi32>
    %reduce_sum3A_427 = vector.shape_cast %slice3A_426 : vector<1x16xi32> to vector<1x1x16xi32>
    %reduce_sum3A_428 = arith.constant dense<0> : vector<1xi32>
    %reduce_sum3A_429 = vector.multi_reduction <add>, %reduce_sum3A_427, %reduce_sum3A_428 [1, 2] : vector<1x1x16xi32> to vector<1xi32>
    %reduce_sum3A_430 = vector.shape_cast %reduce_sum3A_429 : vector<1xi32> to vector<1x1x1xi32>
    %reduce_sum3A_431 = vector.extract %reduce_sum3A_430[0, 0, 0] : i32 from vector<1x1x1xi32>
    %convert_element_type3A_432 = arith.sitofp %reduce_sum3A_431 : i32 to f32
    %slice3A_433 = vector.extract_strided_slice %broadcast_in_dim3A {offsets = [0, 5808], sizes = [1, 16], strides = [1, 1]} : vector<1x9728xi32> to vector<1x16xi32>
    %reduce_sum3A_434 = vector.shape_cast %slice3A_433 : vector<1x16xi32> to vector<1x1x16xi32>
    %reduce_sum3A_435 = arith.constant dense<0> : vector<1xi32>
    %reduce_sum3A_436 = vector.multi_reduction <add>, %reduce_sum3A_434, %reduce_sum3A_435 [1, 2] : vector<1x1x16xi32> to vector<1xi32>
    %reduce_sum3A_437 = vector.shape_cast %reduce_sum3A_436 : vector<1xi32> to vector<1x1x1xi32>
    %reduce_sum3A_438 = vector.extract %reduce_sum3A_437[0, 0, 0] : i32 from vector<1x1x1xi32>
    %convert_element_type3A_439 = arith.sitofp %reduce_sum3A_438 : i32 to f32
    %add3A_440 = arith.addf %convert_element_type3A_425, %convert_element_type3A_432 : f32
    %sub3A_441 = arith.subf %add3A_440, %convert_element_type3A_439 : f32
    %gt3A_442 = arith.constant 0.000000e+00 : f32
    %gt3A_443 = arith.cmpf ogt, %sub3A_441, %gt3A_442 : f32
    %jit3A_444 = arith.constant 1.000000e+00 : f32
    %select_n3A_445 = arith.select %gt3A_443, %sub3A_441, %jit3A_444 : f32
    %div3A_446 = arith.divf %convert_element_type3A_439, %select_n3A_445 : f32
    %jit3A_447 = arith.constant 0.000000e+00 : f32
    %select_n3A_448 = arith.select %gt3A_443, %div3A_446, %jit3A_447 : f32
    %add3A_449 = arith.addf %add3A_414, %select_n3A_448 : f32
    %jit3A_450 = arith.constant 1.000000e+00 : f32
    %jit3A_451 = arith.constant 0.000000e+00 : f32
    %select_n3A_452 = arith.select %gt3A_443, %jit3A_450, %jit3A_451 : f32
    %add3A_453 = arith.addf %add3A_418, %select_n3A_452 : f32
    %slice3A_454 = vector.extract_strided_slice %broadcast_in_dim3A {offsets = [0, 6144], sizes = [1, 512], strides = [1, 1]} : vector<1x9728xi32> to vector<1x512xi32>
    %reduce_sum3A_455 = vector.shape_cast %slice3A_454 : vector<1x512xi32> to vector<1x1x512xi32>
    %reduce_sum3A_456 = arith.constant dense<0> : vector<1xi32>
    %reduce_sum3A_457 = vector.multi_reduction <add>, %reduce_sum3A_455, %reduce_sum3A_456 [1, 2] : vector<1x1x512xi32> to vector<1xi32>
    %reduce_sum3A_458 = vector.shape_cast %reduce_sum3A_457 : vector<1xi32> to vector<1x1x1xi32>
    %reduce_sum3A_459 = vector.extract %reduce_sum3A_458[0, 0, 0] : i32 from vector<1x1x1xi32>
    %convert_element_type3A_460 = arith.sitofp %reduce_sum3A_459 : i32 to f32
    %slice3A_461 = vector.extract_strided_slice %add3A_37 {offsets = [0, 192], sizes = [1, 16], strides = [1, 1]} : vector<1x512xi32> to vector<1x16xi32>
    %reduce_sum3A_462 = vector.shape_cast %slice3A_461 : vector<1x16xi32> to vector<1x1x16xi32>
    %reduce_sum3A_463 = arith.constant dense<0> : vector<1xi32>
    %reduce_sum3A_464 = vector.multi_reduction <add>, %reduce_sum3A_462, %reduce_sum3A_463 [1, 2] : vector<1x1x16xi32> to vector<1xi32>
    %reduce_sum3A_465 = vector.shape_cast %reduce_sum3A_464 : vector<1xi32> to vector<1x1x1xi32>
    %reduce_sum3A_466 = vector.extract %reduce_sum3A_465[0, 0, 0] : i32 from vector<1x1x1xi32>
    %convert_element_type3A_467 = arith.sitofp %reduce_sum3A_466 : i32 to f32
    %slice3A_468 = vector.extract_strided_slice %broadcast_in_dim3A {offsets = [0, 6336], sizes = [1, 16], strides = [1, 1]} : vector<1x9728xi32> to vector<1x16xi32>
    %reduce_sum3A_469 = vector.shape_cast %slice3A_468 : vector<1x16xi32> to vector<1x1x16xi32>
    %reduce_sum3A_470 = arith.constant dense<0> : vector<1xi32>
    %reduce_sum3A_471 = vector.multi_reduction <add>, %reduce_sum3A_469, %reduce_sum3A_470 [1, 2] : vector<1x1x16xi32> to vector<1xi32>
    %reduce_sum3A_472 = vector.shape_cast %reduce_sum3A_471 : vector<1xi32> to vector<1x1x1xi32>
    %reduce_sum3A_473 = vector.extract %reduce_sum3A_472[0, 0, 0] : i32 from vector<1x1x1xi32>
    %convert_element_type3A_474 = arith.sitofp %reduce_sum3A_473 : i32 to f32
    %add3A_475 = arith.addf %convert_element_type3A_460, %convert_element_type3A_467 : f32
    %sub3A_476 = arith.subf %add3A_475, %convert_element_type3A_474 : f32
    %gt3A_477 = arith.constant 0.000000e+00 : f32
    %gt3A_478 = arith.cmpf ogt, %sub3A_476, %gt3A_477 : f32
    %jit3A_479 = arith.constant 1.000000e+00 : f32
    %select_n3A_480 = arith.select %gt3A_478, %sub3A_476, %jit3A_479 : f32
    %div3A_481 = arith.divf %convert_element_type3A_474, %select_n3A_480 : f32
    %jit3A_482 = arith.constant 0.000000e+00 : f32
    %select_n3A_483 = arith.select %gt3A_478, %div3A_481, %jit3A_482 : f32
    %add3A_484 = arith.addf %add3A_449, %select_n3A_483 : f32
    %jit3A_485 = arith.constant 1.000000e+00 : f32
    %jit3A_486 = arith.constant 0.000000e+00 : f32
    %select_n3A_487 = arith.select %gt3A_478, %jit3A_485, %jit3A_486 : f32
    %add3A_488 = arith.addf %add3A_453, %select_n3A_487 : f32
    %slice3A_489 = vector.extract_strided_slice %broadcast_in_dim3A {offsets = [0, 6656], sizes = [1, 512], strides = [1, 1]} : vector<1x9728xi32> to vector<1x512xi32>
    %reduce_sum3A_490 = vector.shape_cast %slice3A_489 : vector<1x512xi32> to vector<1x1x512xi32>
    %reduce_sum3A_491 = arith.constant dense<0> : vector<1xi32>
    %reduce_sum3A_492 = vector.multi_reduction <add>, %reduce_sum3A_490, %reduce_sum3A_491 [1, 2] : vector<1x1x512xi32> to vector<1xi32>
    %reduce_sum3A_493 = vector.shape_cast %reduce_sum3A_492 : vector<1xi32> to vector<1x1x1xi32>
    %reduce_sum3A_494 = vector.extract %reduce_sum3A_493[0, 0, 0] : i32 from vector<1x1x1xi32>
    %convert_element_type3A_495 = arith.sitofp %reduce_sum3A_494 : i32 to f32
    %slice3A_496 = vector.extract_strided_slice %add3A_37 {offsets = [0, 208], sizes = [1, 16], strides = [1, 1]} : vector<1x512xi32> to vector<1x16xi32>
    %reduce_sum3A_497 = vector.shape_cast %slice3A_496 : vector<1x16xi32> to vector<1x1x16xi32>
    %reduce_sum3A_498 = arith.constant dense<0> : vector<1xi32>
    %reduce_sum3A_499 = vector.multi_reduction <add>, %reduce_sum3A_497, %reduce_sum3A_498 [1, 2] : vector<1x1x16xi32> to vector<1xi32>
    %reduce_sum3A_500 = vector.shape_cast %reduce_sum3A_499 : vector<1xi32> to vector<1x1x1xi32>
    %reduce_sum3A_501 = vector.extract %reduce_sum3A_500[0, 0, 0] : i32 from vector<1x1x1xi32>
    %convert_element_type3A_502 = arith.sitofp %reduce_sum3A_501 : i32 to f32
    %slice3A_503 = vector.extract_strided_slice %broadcast_in_dim3A {offsets = [0, 6864], sizes = [1, 16], strides = [1, 1]} : vector<1x9728xi32> to vector<1x16xi32>
    %reduce_sum3A_504 = vector.shape_cast %slice3A_503 : vector<1x16xi32> to vector<1x1x16xi32>
    %reduce_sum3A_505 = arith.constant dense<0> : vector<1xi32>
    %reduce_sum3A_506 = vector.multi_reduction <add>, %reduce_sum3A_504, %reduce_sum3A_505 [1, 2] : vector<1x1x16xi32> to vector<1xi32>
    %reduce_sum3A_507 = vector.shape_cast %reduce_sum3A_506 : vector<1xi32> to vector<1x1x1xi32>
    %reduce_sum3A_508 = vector.extract %reduce_sum3A_507[0, 0, 0] : i32 from vector<1x1x1xi32>
    %convert_element_type3A_509 = arith.sitofp %reduce_sum3A_508 : i32 to f32
    %add3A_510 = arith.addf %convert_element_type3A_495, %convert_element_type3A_502 : f32
    %sub3A_511 = arith.subf %add3A_510, %convert_element_type3A_509 : f32
    %gt3A_512 = arith.constant 0.000000e+00 : f32
    %gt3A_513 = arith.cmpf ogt, %sub3A_511, %gt3A_512 : f32
    %jit3A_514 = arith.constant 1.000000e+00 : f32
    %select_n3A_515 = arith.select %gt3A_513, %sub3A_511, %jit3A_514 : f32
    %div3A_516 = arith.divf %convert_element_type3A_509, %select_n3A_515 : f32
    %jit3A_517 = arith.constant 0.000000e+00 : f32
    %select_n3A_518 = arith.select %gt3A_513, %div3A_516, %jit3A_517 : f32
    %add3A_519 = arith.addf %add3A_484, %select_n3A_518 : f32
    %jit3A_520 = arith.constant 1.000000e+00 : f32
    %jit3A_521 = arith.constant 0.000000e+00 : f32
    %select_n3A_522 = arith.select %gt3A_513, %jit3A_520, %jit3A_521 : f32
    %add3A_523 = arith.addf %add3A_488, %select_n3A_522 : f32
    %slice3A_524 = vector.extract_strided_slice %broadcast_in_dim3A {offsets = [0, 7168], sizes = [1, 512], strides = [1, 1]} : vector<1x9728xi32> to vector<1x512xi32>
    %reduce_sum3A_525 = vector.shape_cast %slice3A_524 : vector<1x512xi32> to vector<1x1x512xi32>
    %reduce_sum3A_526 = arith.constant dense<0> : vector<1xi32>
    %reduce_sum3A_527 = vector.multi_reduction <add>, %reduce_sum3A_525, %reduce_sum3A_526 [1, 2] : vector<1x1x512xi32> to vector<1xi32>
    %reduce_sum3A_528 = vector.shape_cast %reduce_sum3A_527 : vector<1xi32> to vector<1x1x1xi32>
    %reduce_sum3A_529 = vector.extract %reduce_sum3A_528[0, 0, 0] : i32 from vector<1x1x1xi32>
    %convert_element_type3A_530 = arith.sitofp %reduce_sum3A_529 : i32 to f32
    %slice3A_531 = vector.extract_strided_slice %add3A_37 {offsets = [0, 224], sizes = [1, 16], strides = [1, 1]} : vector<1x512xi32> to vector<1x16xi32>
    %reduce_sum3A_532 = vector.shape_cast %slice3A_531 : vector<1x16xi32> to vector<1x1x16xi32>
    %reduce_sum3A_533 = arith.constant dense<0> : vector<1xi32>
    %reduce_sum3A_534 = vector.multi_reduction <add>, %reduce_sum3A_532, %reduce_sum3A_533 [1, 2] : vector<1x1x16xi32> to vector<1xi32>
    %reduce_sum3A_535 = vector.shape_cast %reduce_sum3A_534 : vector<1xi32> to vector<1x1x1xi32>
    %reduce_sum3A_536 = vector.extract %reduce_sum3A_535[0, 0, 0] : i32 from vector<1x1x1xi32>
    %convert_element_type3A_537 = arith.sitofp %reduce_sum3A_536 : i32 to f32
    %slice3A_538 = vector.extract_strided_slice %broadcast_in_dim3A {offsets = [0, 7392], sizes = [1, 16], strides = [1, 1]} : vector<1x9728xi32> to vector<1x16xi32>
    %reduce_sum3A_539 = vector.shape_cast %slice3A_538 : vector<1x16xi32> to vector<1x1x16xi32>
    %reduce_sum3A_540 = arith.constant dense<0> : vector<1xi32>
    %reduce_sum3A_541 = vector.multi_reduction <add>, %reduce_sum3A_539, %reduce_sum3A_540 [1, 2] : vector<1x1x16xi32> to vector<1xi32>
    %reduce_sum3A_542 = vector.shape_cast %reduce_sum3A_541 : vector<1xi32> to vector<1x1x1xi32>
    %reduce_sum3A_543 = vector.extract %reduce_sum3A_542[0, 0, 0] : i32 from vector<1x1x1xi32>
    %convert_element_type3A_544 = arith.sitofp %reduce_sum3A_543 : i32 to f32
    %add3A_545 = arith.addf %convert_element_type3A_530, %convert_element_type3A_537 : f32
    %sub3A_546 = arith.subf %add3A_545, %convert_element_type3A_544 : f32
    %gt3A_547 = arith.constant 0.000000e+00 : f32
    %gt3A_548 = arith.cmpf ogt, %sub3A_546, %gt3A_547 : f32
    %jit3A_549 = arith.constant 1.000000e+00 : f32
    %select_n3A_550 = arith.select %gt3A_548, %sub3A_546, %jit3A_549 : f32
    %div3A_551 = arith.divf %convert_element_type3A_544, %select_n3A_550 : f32
    %jit3A_552 = arith.constant 0.000000e+00 : f32
    %select_n3A_553 = arith.select %gt3A_548, %div3A_551, %jit3A_552 : f32
    %add3A_554 = arith.addf %add3A_519, %select_n3A_553 : f32
    %jit3A_555 = arith.constant 1.000000e+00 : f32
    %jit3A_556 = arith.constant 0.000000e+00 : f32
    %select_n3A_557 = arith.select %gt3A_548, %jit3A_555, %jit3A_556 : f32
    %add3A_558 = arith.addf %add3A_523, %select_n3A_557 : f32
    %slice3A_559 = vector.extract_strided_slice %broadcast_in_dim3A {offsets = [0, 7680], sizes = [1, 512], strides = [1, 1]} : vector<1x9728xi32> to vector<1x512xi32>
    %reduce_sum3A_560 = vector.shape_cast %slice3A_559 : vector<1x512xi32> to vector<1x1x512xi32>
    %reduce_sum3A_561 = arith.constant dense<0> : vector<1xi32>
    %reduce_sum3A_562 = vector.multi_reduction <add>, %reduce_sum3A_560, %reduce_sum3A_561 [1, 2] : vector<1x1x512xi32> to vector<1xi32>
    %reduce_sum3A_563 = vector.shape_cast %reduce_sum3A_562 : vector<1xi32> to vector<1x1x1xi32>
    %reduce_sum3A_564 = vector.extract %reduce_sum3A_563[0, 0, 0] : i32 from vector<1x1x1xi32>
    %convert_element_type3A_565 = arith.sitofp %reduce_sum3A_564 : i32 to f32
    %slice3A_566 = vector.extract_strided_slice %add3A_37 {offsets = [0, 240], sizes = [1, 16], strides = [1, 1]} : vector<1x512xi32> to vector<1x16xi32>
    %reduce_sum3A_567 = vector.shape_cast %slice3A_566 : vector<1x16xi32> to vector<1x1x16xi32>
    %reduce_sum3A_568 = arith.constant dense<0> : vector<1xi32>
    %reduce_sum3A_569 = vector.multi_reduction <add>, %reduce_sum3A_567, %reduce_sum3A_568 [1, 2] : vector<1x1x16xi32> to vector<1xi32>
    %reduce_sum3A_570 = vector.shape_cast %reduce_sum3A_569 : vector<1xi32> to vector<1x1x1xi32>
    %reduce_sum3A_571 = vector.extract %reduce_sum3A_570[0, 0, 0] : i32 from vector<1x1x1xi32>
    %convert_element_type3A_572 = arith.sitofp %reduce_sum3A_571 : i32 to f32
    %slice3A_573 = vector.extract_strided_slice %broadcast_in_dim3A {offsets = [0, 7920], sizes = [1, 16], strides = [1, 1]} : vector<1x9728xi32> to vector<1x16xi32>
    %reduce_sum3A_574 = vector.shape_cast %slice3A_573 : vector<1x16xi32> to vector<1x1x16xi32>
    %reduce_sum3A_575 = arith.constant dense<0> : vector<1xi32>
    %reduce_sum3A_576 = vector.multi_reduction <add>, %reduce_sum3A_574, %reduce_sum3A_575 [1, 2] : vector<1x1x16xi32> to vector<1xi32>
    %reduce_sum3A_577 = vector.shape_cast %reduce_sum3A_576 : vector<1xi32> to vector<1x1x1xi32>
    %reduce_sum3A_578 = vector.extract %reduce_sum3A_577[0, 0, 0] : i32 from vector<1x1x1xi32>
    %convert_element_type3A_579 = arith.sitofp %reduce_sum3A_578 : i32 to f32
    %add3A_580 = arith.addf %convert_element_type3A_565, %convert_element_type3A_572 : f32
    %sub3A_581 = arith.subf %add3A_580, %convert_element_type3A_579 : f32
    %gt3A_582 = arith.constant 0.000000e+00 : f32
    %gt3A_583 = arith.cmpf ogt, %sub3A_581, %gt3A_582 : f32
    %jit3A_584 = arith.constant 1.000000e+00 : f32
    %select_n3A_585 = arith.select %gt3A_583, %sub3A_581, %jit3A_584 : f32
    %div3A_586 = arith.divf %convert_element_type3A_579, %select_n3A_585 : f32
    %jit3A_587 = arith.constant 0.000000e+00 : f32
    %select_n3A_588 = arith.select %gt3A_583, %div3A_586, %jit3A_587 : f32
    %add3A_589 = arith.addf %add3A_554, %select_n3A_588 : f32
    %jit3A_590 = arith.constant 1.000000e+00 : f32
    %jit3A_591 = arith.constant 0.000000e+00 : f32
    %select_n3A_592 = arith.select %gt3A_583, %jit3A_590, %jit3A_591 : f32
    %add3A_593 = arith.addf %add3A_558, %select_n3A_592 : f32
    %slice3A_594 = vector.extract_strided_slice %broadcast_in_dim3A {offsets = [0, 8192], sizes = [1, 512], strides = [1, 1]} : vector<1x9728xi32> to vector<1x512xi32>
    %reduce_sum3A_595 = vector.shape_cast %slice3A_594 : vector<1x512xi32> to vector<1x1x512xi32>
    %reduce_sum3A_596 = arith.constant dense<0> : vector<1xi32>
    %reduce_sum3A_597 = vector.multi_reduction <add>, %reduce_sum3A_595, %reduce_sum3A_596 [1, 2] : vector<1x1x512xi32> to vector<1xi32>
    %reduce_sum3A_598 = vector.shape_cast %reduce_sum3A_597 : vector<1xi32> to vector<1x1x1xi32>
    %reduce_sum3A_599 = vector.extract %reduce_sum3A_598[0, 0, 0] : i32 from vector<1x1x1xi32>
    %convert_element_type3A_600 = arith.sitofp %reduce_sum3A_599 : i32 to f32
    %slice3A_601 = vector.extract_strided_slice %add3A_37 {offsets = [0, 256], sizes = [1, 16], strides = [1, 1]} : vector<1x512xi32> to vector<1x16xi32>
    %reduce_sum3A_602 = vector.shape_cast %slice3A_601 : vector<1x16xi32> to vector<1x1x16xi32>
    %reduce_sum3A_603 = arith.constant dense<0> : vector<1xi32>
    %reduce_sum3A_604 = vector.multi_reduction <add>, %reduce_sum3A_602, %reduce_sum3A_603 [1, 2] : vector<1x1x16xi32> to vector<1xi32>
    %reduce_sum3A_605 = vector.shape_cast %reduce_sum3A_604 : vector<1xi32> to vector<1x1x1xi32>
    %reduce_sum3A_606 = vector.extract %reduce_sum3A_605[0, 0, 0] : i32 from vector<1x1x1xi32>
    %convert_element_type3A_607 = arith.sitofp %reduce_sum3A_606 : i32 to f32
    %slice3A_608 = vector.extract_strided_slice %broadcast_in_dim3A {offsets = [0, 8448], sizes = [1, 16], strides = [1, 1]} : vector<1x9728xi32> to vector<1x16xi32>
    %reduce_sum3A_609 = vector.shape_cast %slice3A_608 : vector<1x16xi32> to vector<1x1x16xi32>
    %reduce_sum3A_610 = arith.constant dense<0> : vector<1xi32>
    %reduce_sum3A_611 = vector.multi_reduction <add>, %reduce_sum3A_609, %reduce_sum3A_610 [1, 2] : vector<1x1x16xi32> to vector<1xi32>
    %reduce_sum3A_612 = vector.shape_cast %reduce_sum3A_611 : vector<1xi32> to vector<1x1x1xi32>
    %reduce_sum3A_613 = vector.extract %reduce_sum3A_612[0, 0, 0] : i32 from vector<1x1x1xi32>
    %convert_element_type3A_614 = arith.sitofp %reduce_sum3A_613 : i32 to f32
    %add3A_615 = arith.addf %convert_element_type3A_600, %convert_element_type3A_607 : f32
    %sub3A_616 = arith.subf %add3A_615, %convert_element_type3A_614 : f32
    %gt3A_617 = arith.constant 0.000000e+00 : f32
    %gt3A_618 = arith.cmpf ogt, %sub3A_616, %gt3A_617 : f32
    %jit3A_619 = arith.constant 1.000000e+00 : f32
    %select_n3A_620 = arith.select %gt3A_618, %sub3A_616, %jit3A_619 : f32
    %div3A_621 = arith.divf %convert_element_type3A_614, %select_n3A_620 : f32
    %jit3A_622 = arith.constant 0.000000e+00 : f32
    %select_n3A_623 = arith.select %gt3A_618, %div3A_621, %jit3A_622 : f32
    %add3A_624 = arith.addf %add3A_589, %select_n3A_623 : f32
    %jit3A_625 = arith.constant 1.000000e+00 : f32
    %jit3A_626 = arith.constant 0.000000e+00 : f32
    %select_n3A_627 = arith.select %gt3A_618, %jit3A_625, %jit3A_626 : f32
    %add3A_628 = arith.addf %add3A_593, %select_n3A_627 : f32
    %slice3A_629 = vector.extract_strided_slice %broadcast_in_dim3A {offsets = [0, 8704], sizes = [1, 512], strides = [1, 1]} : vector<1x9728xi32> to vector<1x512xi32>
    %reduce_sum3A_630 = vector.shape_cast %slice3A_629 : vector<1x512xi32> to vector<1x1x512xi32>
    %reduce_sum3A_631 = arith.constant dense<0> : vector<1xi32>
    %reduce_sum3A_632 = vector.multi_reduction <add>, %reduce_sum3A_630, %reduce_sum3A_631 [1, 2] : vector<1x1x512xi32> to vector<1xi32>
    %reduce_sum3A_633 = vector.shape_cast %reduce_sum3A_632 : vector<1xi32> to vector<1x1x1xi32>
    %reduce_sum3A_634 = vector.extract %reduce_sum3A_633[0, 0, 0] : i32 from vector<1x1x1xi32>
    %convert_element_type3A_635 = arith.sitofp %reduce_sum3A_634 : i32 to f32
    %slice3A_636 = vector.extract_strided_slice %add3A_37 {offsets = [0, 272], sizes = [1, 16], strides = [1, 1]} : vector<1x512xi32> to vector<1x16xi32>
    %reduce_sum3A_637 = vector.shape_cast %slice3A_636 : vector<1x16xi32> to vector<1x1x16xi32>
    %reduce_sum3A_638 = arith.constant dense<0> : vector<1xi32>
    %reduce_sum3A_639 = vector.multi_reduction <add>, %reduce_sum3A_637, %reduce_sum3A_638 [1, 2] : vector<1x1x16xi32> to vector<1xi32>
    %reduce_sum3A_640 = vector.shape_cast %reduce_sum3A_639 : vector<1xi32> to vector<1x1x1xi32>
    %reduce_sum3A_641 = vector.extract %reduce_sum3A_640[0, 0, 0] : i32 from vector<1x1x1xi32>
    %convert_element_type3A_642 = arith.sitofp %reduce_sum3A_641 : i32 to f32
    %slice3A_643 = vector.extract_strided_slice %broadcast_in_dim3A {offsets = [0, 8976], sizes = [1, 16], strides = [1, 1]} : vector<1x9728xi32> to vector<1x16xi32>
    %reduce_sum3A_644 = vector.shape_cast %slice3A_643 : vector<1x16xi32> to vector<1x1x16xi32>
    %reduce_sum3A_645 = arith.constant dense<0> : vector<1xi32>
    %reduce_sum3A_646 = vector.multi_reduction <add>, %reduce_sum3A_644, %reduce_sum3A_645 [1, 2] : vector<1x1x16xi32> to vector<1xi32>
    %reduce_sum3A_647 = vector.shape_cast %reduce_sum3A_646 : vector<1xi32> to vector<1x1x1xi32>
    %reduce_sum3A_648 = vector.extract %reduce_sum3A_647[0, 0, 0] : i32 from vector<1x1x1xi32>
    %convert_element_type3A_649 = arith.sitofp %reduce_sum3A_648 : i32 to f32
    %add3A_650 = arith.addf %convert_element_type3A_635, %convert_element_type3A_642 : f32
    %sub3A_651 = arith.subf %add3A_650, %convert_element_type3A_649 : f32
    %gt3A_652 = arith.constant 0.000000e+00 : f32
    %gt3A_653 = arith.cmpf ogt, %sub3A_651, %gt3A_652 : f32
    %jit3A_654 = arith.constant 1.000000e+00 : f32
    %select_n3A_655 = arith.select %gt3A_653, %sub3A_651, %jit3A_654 : f32
    %div3A_656 = arith.divf %convert_element_type3A_649, %select_n3A_655 : f32
    %jit3A_657 = arith.constant 0.000000e+00 : f32
    %select_n3A_658 = arith.select %gt3A_653, %div3A_656, %jit3A_657 : f32
    %add3A_659 = arith.addf %add3A_624, %select_n3A_658 : f32
    %jit3A_660 = arith.constant 1.000000e+00 : f32
    %jit3A_661 = arith.constant 0.000000e+00 : f32
    %select_n3A_662 = arith.select %gt3A_653, %jit3A_660, %jit3A_661 : f32
    %add3A_663 = arith.addf %add3A_628, %select_n3A_662 : f32
    %slice3A_664 = vector.extract_strided_slice %broadcast_in_dim3A {offsets = [0, 9216], sizes = [1, 512], strides = [1, 1]} : vector<1x9728xi32> to vector<1x512xi32>
    %reduce_sum3A_665 = vector.shape_cast %slice3A_664 : vector<1x512xi32> to vector<1x1x512xi32>
    %reduce_sum3A_666 = arith.constant dense<0> : vector<1xi32>
    %reduce_sum3A_667 = vector.multi_reduction <add>, %reduce_sum3A_665, %reduce_sum3A_666 [1, 2] : vector<1x1x512xi32> to vector<1xi32>
    %reduce_sum3A_668 = vector.shape_cast %reduce_sum3A_667 : vector<1xi32> to vector<1x1x1xi32>
    %reduce_sum3A_669 = vector.extract %reduce_sum3A_668[0, 0, 0] : i32 from vector<1x1x1xi32>
    %convert_element_type3A_670 = arith.sitofp %reduce_sum3A_669 : i32 to f32
    %slice3A_671 = vector.extract_strided_slice %add3A_37 {offsets = [0, 288], sizes = [1, 16], strides = [1, 1]} : vector<1x512xi32> to vector<1x16xi32>
    %reduce_sum3A_672 = vector.shape_cast %slice3A_671 : vector<1x16xi32> to vector<1x1x16xi32>
    %reduce_sum3A_673 = arith.constant dense<0> : vector<1xi32>
    %reduce_sum3A_674 = vector.multi_reduction <add>, %reduce_sum3A_672, %reduce_sum3A_673 [1, 2] : vector<1x1x16xi32> to vector<1xi32>
    %reduce_sum3A_675 = vector.shape_cast %reduce_sum3A_674 : vector<1xi32> to vector<1x1x1xi32>
    %reduce_sum3A_676 = vector.extract %reduce_sum3A_675[0, 0, 0] : i32 from vector<1x1x1xi32>
    %convert_element_type3A_677 = arith.sitofp %reduce_sum3A_676 : i32 to f32
    %slice3A_678 = vector.extract_strided_slice %broadcast_in_dim3A {offsets = [0, 9504], sizes = [1, 16], strides = [1, 1]} : vector<1x9728xi32> to vector<1x16xi32>
    %reduce_sum3A_679 = vector.shape_cast %slice3A_678 : vector<1x16xi32> to vector<1x1x16xi32>
    %reduce_sum3A_680 = arith.constant dense<0> : vector<1xi32>
    %reduce_sum3A_681 = vector.multi_reduction <add>, %reduce_sum3A_679, %reduce_sum3A_680 [1, 2] : vector<1x1x16xi32> to vector<1xi32>
    %reduce_sum3A_682 = vector.shape_cast %reduce_sum3A_681 : vector<1xi32> to vector<1x1x1xi32>
    %reduce_sum3A_683 = vector.extract %reduce_sum3A_682[0, 0, 0] : i32 from vector<1x1x1xi32>
    %convert_element_type3A_684 = arith.sitofp %reduce_sum3A_683 : i32 to f32
    %add3A_685 = arith.addf %convert_element_type3A_670, %convert_element_type3A_677 : f32
    %sub3A_686 = arith.subf %add3A_685, %convert_element_type3A_684 : f32
    %gt3A_687 = arith.constant 0.000000e+00 : f32
    %gt3A_688 = arith.cmpf ogt, %sub3A_686, %gt3A_687 : f32
    %jit3A_689 = arith.constant 1.000000e+00 : f32
    %select_n3A_690 = arith.select %gt3A_688, %sub3A_686, %jit3A_689 : f32
    %div3A_691 = arith.divf %convert_element_type3A_684, %select_n3A_690 : f32
    %jit3A_692 = arith.constant 0.000000e+00 : f32
    %select_n3A_693 = arith.select %gt3A_688, %div3A_691, %jit3A_692 : f32
    %add3A_694 = arith.addf %add3A_659, %select_n3A_693 : f32
    %jit3A_695 = arith.constant 1.000000e+00 : f32
    %jit3A_696 = arith.constant 0.000000e+00 : f32
    %select_n3A_697 = arith.select %gt3A_688, %jit3A_695, %jit3A_696 : f32
    %add3A_698 = arith.addf %add3A_663, %select_n3A_697 : f32
    %gt3A_699 = arith.constant 0.000000e+00 : f32
    %gt3A_700 = arith.cmpf ogt, %add3A_698, %gt3A_699 : f32
    %gt3A_701 = arith.constant 0.000000e+00 : f32
    %gt3A_702 = arith.cmpf ogt, %add3A_698, %gt3A_701 : f32
    %jit3A_703 = arith.constant 1.000000e+00 : f32
    %select_n3A_704 = arith.select %gt3A_702, %add3A_698, %jit3A_703 : f32
    %div3A_705 = arith.divf %add3A_694, %select_n3A_704 : f32
    %jit3A_706 = arith.constant 5.000000e-01 : f32
    %select_n3A_707 = arith.select %gt3A_700, %div3A_705, %jit3A_706 : f32
    %sub3A_708 = arith.constant 1.000000e+00 : f32
    %sub3A_709 = arith.subf %sub3A_708, %select_n3A_707 : f32
    %swap3A = arith.constant 0 : index
    %swap3A_710 = arith.constant 0 : index
    %swap3A_711 = memref.load %arg1[%swap3A, %swap3A_710] : memref<1x1xf32, #tpu.memory_space<smem>>
    memref.store %sub3A_709, %arg1[%swap3A, %swap3A_710] : memref<1x1xf32, #tpu.memory_space<smem>>
    return
  }
}

module attributes {stable_mosaic.version = 14 : i64} {
  func.func @_argmax_body(%arg0: i32, %arg1: memref<1x19x256x512xf32, #tpu.memory_space<vmem>>, %arg2: memref<1x256x512xi32, #tpu.memory_space<vmem>>, %arg3: memref<128x512xi32, #tpu.memory_space<vmem>>) attributes {dimension_semantics = [#tpu.dimension_semantics<arbitrary>], iteration_bounds = array<i64: 16>, scalar_prefetch = 0 : i64, scratch_operands = 0 : i64, tpu.core_type = #tpu.core_type<tc>, window_params = [{transform_indices = @transform_0, window_bounds = array<i64: 1, 19, 256, 512>}, {transform_indices = @transform_1, window_bounds = array<i64: 1, 256, 512>}, {transform_indices = @transform_2, window_bounds = array<i64: 128, 512>}]} {
    %get3A = arith.constant 0 : index
    %get3A_0 = arith.constant 0 : index
    %get3A_1 = arith.constant 0 : index
    %get3A_2 = arith.constant 0 : index
    %get3A_3 = vector.load %arg1[%get3A, %get3A_0, %get3A_1, %get3A_2] : memref<1x19x256x512xf32, #tpu.memory_space<vmem>>, vector<1x19x256x512xf32>
    %get3A_4 = vector.shape_cast %get3A_3 : vector<1x19x256x512xf32> to vector<19x256x512xf32>
    %slice3A = vector.extract_strided_slice %get3A_4 {offsets = [0, 0, 0], sizes = [1, 256, 512], strides = [1, 1, 1]} : vector<19x256x512xf32> to vector<1x256x512xf32>
    %squeeze3A = vector.shape_cast %slice3A : vector<1x256x512xf32> to vector<256x512xf32>
    %broadcast_in_dim3A = arith.constant 0 : i32
    %broadcast_in_dim3A_5 = vector.broadcast %broadcast_in_dim3A : i32 to vector<256x512xi32>
    %slice3A_6 = vector.extract_strided_slice %get3A_4 {offsets = [1, 0, 0], sizes = [1, 256, 512], strides = [1, 1, 1]} : vector<19x256x512xf32> to vector<1x256x512xf32>
    %squeeze3A_7 = vector.shape_cast %slice3A_6 : vector<1x256x512xf32> to vector<256x512xf32>
    %gt3A = arith.cmpf ogt, %squeeze3A_7, %squeeze3A : vector<256x512xf32>
    %select_n3A = arith.select %gt3A, %squeeze3A_7, %squeeze3A : vector<256x512xi1>, vector<256x512xf32>
    %jit3A = arith.constant 1 : i32
    %broadcast_in_dim3A_8 = vector.broadcast %jit3A : i32 to vector<256x512xi32>
    %select_n3A_9 = arith.select %gt3A, %broadcast_in_dim3A_8, %broadcast_in_dim3A_5 : vector<256x512xi1>, vector<256x512xi32>
    %slice3A_10 = vector.extract_strided_slice %get3A_4 {offsets = [2, 0, 0], sizes = [1, 256, 512], strides = [1, 1, 1]} : vector<19x256x512xf32> to vector<1x256x512xf32>
    %squeeze3A_11 = vector.shape_cast %slice3A_10 : vector<1x256x512xf32> to vector<256x512xf32>
    %gt3A_12 = arith.cmpf ogt, %squeeze3A_11, %select_n3A : vector<256x512xf32>
    %select_n3A_13 = arith.select %gt3A_12, %squeeze3A_11, %select_n3A : vector<256x512xi1>, vector<256x512xf32>
    %jit3A_14 = arith.constant 2 : i32
    %broadcast_in_dim3A_15 = vector.broadcast %jit3A_14 : i32 to vector<256x512xi32>
    %select_n3A_16 = arith.select %gt3A_12, %broadcast_in_dim3A_15, %select_n3A_9 : vector<256x512xi1>, vector<256x512xi32>
    %slice3A_17 = vector.extract_strided_slice %get3A_4 {offsets = [3, 0, 0], sizes = [1, 256, 512], strides = [1, 1, 1]} : vector<19x256x512xf32> to vector<1x256x512xf32>
    %squeeze3A_18 = vector.shape_cast %slice3A_17 : vector<1x256x512xf32> to vector<256x512xf32>
    %gt3A_19 = arith.cmpf ogt, %squeeze3A_18, %select_n3A_13 : vector<256x512xf32>
    %select_n3A_20 = arith.select %gt3A_19, %squeeze3A_18, %select_n3A_13 : vector<256x512xi1>, vector<256x512xf32>
    %jit3A_21 = arith.constant 3 : i32
    %broadcast_in_dim3A_22 = vector.broadcast %jit3A_21 : i32 to vector<256x512xi32>
    %select_n3A_23 = arith.select %gt3A_19, %broadcast_in_dim3A_22, %select_n3A_16 : vector<256x512xi1>, vector<256x512xi32>
    %slice3A_24 = vector.extract_strided_slice %get3A_4 {offsets = [4, 0, 0], sizes = [1, 256, 512], strides = [1, 1, 1]} : vector<19x256x512xf32> to vector<1x256x512xf32>
    %squeeze3A_25 = vector.shape_cast %slice3A_24 : vector<1x256x512xf32> to vector<256x512xf32>
    %gt3A_26 = arith.cmpf ogt, %squeeze3A_25, %select_n3A_20 : vector<256x512xf32>
    %select_n3A_27 = arith.select %gt3A_26, %squeeze3A_25, %select_n3A_20 : vector<256x512xi1>, vector<256x512xf32>
    %jit3A_28 = arith.constant 4 : i32
    %broadcast_in_dim3A_29 = vector.broadcast %jit3A_28 : i32 to vector<256x512xi32>
    %select_n3A_30 = arith.select %gt3A_26, %broadcast_in_dim3A_29, %select_n3A_23 : vector<256x512xi1>, vector<256x512xi32>
    %slice3A_31 = vector.extract_strided_slice %get3A_4 {offsets = [5, 0, 0], sizes = [1, 256, 512], strides = [1, 1, 1]} : vector<19x256x512xf32> to vector<1x256x512xf32>
    %squeeze3A_32 = vector.shape_cast %slice3A_31 : vector<1x256x512xf32> to vector<256x512xf32>
    %gt3A_33 = arith.cmpf ogt, %squeeze3A_32, %select_n3A_27 : vector<256x512xf32>
    %select_n3A_34 = arith.select %gt3A_33, %squeeze3A_32, %select_n3A_27 : vector<256x512xi1>, vector<256x512xf32>
    %jit3A_35 = arith.constant 5 : i32
    %broadcast_in_dim3A_36 = vector.broadcast %jit3A_35 : i32 to vector<256x512xi32>
    %select_n3A_37 = arith.select %gt3A_33, %broadcast_in_dim3A_36, %select_n3A_30 : vector<256x512xi1>, vector<256x512xi32>
    %slice3A_38 = vector.extract_strided_slice %get3A_4 {offsets = [6, 0, 0], sizes = [1, 256, 512], strides = [1, 1, 1]} : vector<19x256x512xf32> to vector<1x256x512xf32>
    %squeeze3A_39 = vector.shape_cast %slice3A_38 : vector<1x256x512xf32> to vector<256x512xf32>
    %gt3A_40 = arith.cmpf ogt, %squeeze3A_39, %select_n3A_34 : vector<256x512xf32>
    %select_n3A_41 = arith.select %gt3A_40, %squeeze3A_39, %select_n3A_34 : vector<256x512xi1>, vector<256x512xf32>
    %jit3A_42 = arith.constant 6 : i32
    %broadcast_in_dim3A_43 = vector.broadcast %jit3A_42 : i32 to vector<256x512xi32>
    %select_n3A_44 = arith.select %gt3A_40, %broadcast_in_dim3A_43, %select_n3A_37 : vector<256x512xi1>, vector<256x512xi32>
    %slice3A_45 = vector.extract_strided_slice %get3A_4 {offsets = [7, 0, 0], sizes = [1, 256, 512], strides = [1, 1, 1]} : vector<19x256x512xf32> to vector<1x256x512xf32>
    %squeeze3A_46 = vector.shape_cast %slice3A_45 : vector<1x256x512xf32> to vector<256x512xf32>
    %gt3A_47 = arith.cmpf ogt, %squeeze3A_46, %select_n3A_41 : vector<256x512xf32>
    %select_n3A_48 = arith.select %gt3A_47, %squeeze3A_46, %select_n3A_41 : vector<256x512xi1>, vector<256x512xf32>
    %jit3A_49 = arith.constant 7 : i32
    %broadcast_in_dim3A_50 = vector.broadcast %jit3A_49 : i32 to vector<256x512xi32>
    %select_n3A_51 = arith.select %gt3A_47, %broadcast_in_dim3A_50, %select_n3A_44 : vector<256x512xi1>, vector<256x512xi32>
    %slice3A_52 = vector.extract_strided_slice %get3A_4 {offsets = [8, 0, 0], sizes = [1, 256, 512], strides = [1, 1, 1]} : vector<19x256x512xf32> to vector<1x256x512xf32>
    %squeeze3A_53 = vector.shape_cast %slice3A_52 : vector<1x256x512xf32> to vector<256x512xf32>
    %gt3A_54 = arith.cmpf ogt, %squeeze3A_53, %select_n3A_48 : vector<256x512xf32>
    %select_n3A_55 = arith.select %gt3A_54, %squeeze3A_53, %select_n3A_48 : vector<256x512xi1>, vector<256x512xf32>
    %jit3A_56 = arith.constant 8 : i32
    %broadcast_in_dim3A_57 = vector.broadcast %jit3A_56 : i32 to vector<256x512xi32>
    %select_n3A_58 = arith.select %gt3A_54, %broadcast_in_dim3A_57, %select_n3A_51 : vector<256x512xi1>, vector<256x512xi32>
    %slice3A_59 = vector.extract_strided_slice %get3A_4 {offsets = [9, 0, 0], sizes = [1, 256, 512], strides = [1, 1, 1]} : vector<19x256x512xf32> to vector<1x256x512xf32>
    %squeeze3A_60 = vector.shape_cast %slice3A_59 : vector<1x256x512xf32> to vector<256x512xf32>
    %gt3A_61 = arith.cmpf ogt, %squeeze3A_60, %select_n3A_55 : vector<256x512xf32>
    %select_n3A_62 = arith.select %gt3A_61, %squeeze3A_60, %select_n3A_55 : vector<256x512xi1>, vector<256x512xf32>
    %jit3A_63 = arith.constant 9 : i32
    %broadcast_in_dim3A_64 = vector.broadcast %jit3A_63 : i32 to vector<256x512xi32>
    %select_n3A_65 = arith.select %gt3A_61, %broadcast_in_dim3A_64, %select_n3A_58 : vector<256x512xi1>, vector<256x512xi32>
    %slice3A_66 = vector.extract_strided_slice %get3A_4 {offsets = [10, 0, 0], sizes = [1, 256, 512], strides = [1, 1, 1]} : vector<19x256x512xf32> to vector<1x256x512xf32>
    %squeeze3A_67 = vector.shape_cast %slice3A_66 : vector<1x256x512xf32> to vector<256x512xf32>
    %gt3A_68 = arith.cmpf ogt, %squeeze3A_67, %select_n3A_62 : vector<256x512xf32>
    %select_n3A_69 = arith.select %gt3A_68, %squeeze3A_67, %select_n3A_62 : vector<256x512xi1>, vector<256x512xf32>
    %jit3A_70 = arith.constant 10 : i32
    %broadcast_in_dim3A_71 = vector.broadcast %jit3A_70 : i32 to vector<256x512xi32>
    %select_n3A_72 = arith.select %gt3A_68, %broadcast_in_dim3A_71, %select_n3A_65 : vector<256x512xi1>, vector<256x512xi32>
    %slice3A_73 = vector.extract_strided_slice %get3A_4 {offsets = [11, 0, 0], sizes = [1, 256, 512], strides = [1, 1, 1]} : vector<19x256x512xf32> to vector<1x256x512xf32>
    %squeeze3A_74 = vector.shape_cast %slice3A_73 : vector<1x256x512xf32> to vector<256x512xf32>
    %gt3A_75 = arith.cmpf ogt, %squeeze3A_74, %select_n3A_69 : vector<256x512xf32>
    %select_n3A_76 = arith.select %gt3A_75, %squeeze3A_74, %select_n3A_69 : vector<256x512xi1>, vector<256x512xf32>
    %jit3A_77 = arith.constant 11 : i32
    %broadcast_in_dim3A_78 = vector.broadcast %jit3A_77 : i32 to vector<256x512xi32>
    %select_n3A_79 = arith.select %gt3A_75, %broadcast_in_dim3A_78, %select_n3A_72 : vector<256x512xi1>, vector<256x512xi32>
    %slice3A_80 = vector.extract_strided_slice %get3A_4 {offsets = [12, 0, 0], sizes = [1, 256, 512], strides = [1, 1, 1]} : vector<19x256x512xf32> to vector<1x256x512xf32>
    %squeeze3A_81 = vector.shape_cast %slice3A_80 : vector<1x256x512xf32> to vector<256x512xf32>
    %gt3A_82 = arith.cmpf ogt, %squeeze3A_81, %select_n3A_76 : vector<256x512xf32>
    %select_n3A_83 = arith.select %gt3A_82, %squeeze3A_81, %select_n3A_76 : vector<256x512xi1>, vector<256x512xf32>
    %jit3A_84 = arith.constant 12 : i32
    %broadcast_in_dim3A_85 = vector.broadcast %jit3A_84 : i32 to vector<256x512xi32>
    %select_n3A_86 = arith.select %gt3A_82, %broadcast_in_dim3A_85, %select_n3A_79 : vector<256x512xi1>, vector<256x512xi32>
    %slice3A_87 = vector.extract_strided_slice %get3A_4 {offsets = [13, 0, 0], sizes = [1, 256, 512], strides = [1, 1, 1]} : vector<19x256x512xf32> to vector<1x256x512xf32>
    %squeeze3A_88 = vector.shape_cast %slice3A_87 : vector<1x256x512xf32> to vector<256x512xf32>
    %gt3A_89 = arith.cmpf ogt, %squeeze3A_88, %select_n3A_83 : vector<256x512xf32>
    %select_n3A_90 = arith.select %gt3A_89, %squeeze3A_88, %select_n3A_83 : vector<256x512xi1>, vector<256x512xf32>
    %jit3A_91 = arith.constant 13 : i32
    %broadcast_in_dim3A_92 = vector.broadcast %jit3A_91 : i32 to vector<256x512xi32>
    %select_n3A_93 = arith.select %gt3A_89, %broadcast_in_dim3A_92, %select_n3A_86 : vector<256x512xi1>, vector<256x512xi32>
    %slice3A_94 = vector.extract_strided_slice %get3A_4 {offsets = [14, 0, 0], sizes = [1, 256, 512], strides = [1, 1, 1]} : vector<19x256x512xf32> to vector<1x256x512xf32>
    %squeeze3A_95 = vector.shape_cast %slice3A_94 : vector<1x256x512xf32> to vector<256x512xf32>
    %gt3A_96 = arith.cmpf ogt, %squeeze3A_95, %select_n3A_90 : vector<256x512xf32>
    %select_n3A_97 = arith.select %gt3A_96, %squeeze3A_95, %select_n3A_90 : vector<256x512xi1>, vector<256x512xf32>
    %jit3A_98 = arith.constant 14 : i32
    %broadcast_in_dim3A_99 = vector.broadcast %jit3A_98 : i32 to vector<256x512xi32>
    %select_n3A_100 = arith.select %gt3A_96, %broadcast_in_dim3A_99, %select_n3A_93 : vector<256x512xi1>, vector<256x512xi32>
    %slice3A_101 = vector.extract_strided_slice %get3A_4 {offsets = [15, 0, 0], sizes = [1, 256, 512], strides = [1, 1, 1]} : vector<19x256x512xf32> to vector<1x256x512xf32>
    %squeeze3A_102 = vector.shape_cast %slice3A_101 : vector<1x256x512xf32> to vector<256x512xf32>
    %gt3A_103 = arith.cmpf ogt, %squeeze3A_102, %select_n3A_97 : vector<256x512xf32>
    %select_n3A_104 = arith.select %gt3A_103, %squeeze3A_102, %select_n3A_97 : vector<256x512xi1>, vector<256x512xf32>
    %jit3A_105 = arith.constant 15 : i32
    %broadcast_in_dim3A_106 = vector.broadcast %jit3A_105 : i32 to vector<256x512xi32>
    %select_n3A_107 = arith.select %gt3A_103, %broadcast_in_dim3A_106, %select_n3A_100 : vector<256x512xi1>, vector<256x512xi32>
    %slice3A_108 = vector.extract_strided_slice %get3A_4 {offsets = [16, 0, 0], sizes = [1, 256, 512], strides = [1, 1, 1]} : vector<19x256x512xf32> to vector<1x256x512xf32>
    %squeeze3A_109 = vector.shape_cast %slice3A_108 : vector<1x256x512xf32> to vector<256x512xf32>
    %gt3A_110 = arith.cmpf ogt, %squeeze3A_109, %select_n3A_104 : vector<256x512xf32>
    %select_n3A_111 = arith.select %gt3A_110, %squeeze3A_109, %select_n3A_104 : vector<256x512xi1>, vector<256x512xf32>
    %jit3A_112 = arith.constant 16 : i32
    %broadcast_in_dim3A_113 = vector.broadcast %jit3A_112 : i32 to vector<256x512xi32>
    %select_n3A_114 = arith.select %gt3A_110, %broadcast_in_dim3A_113, %select_n3A_107 : vector<256x512xi1>, vector<256x512xi32>
    %slice3A_115 = vector.extract_strided_slice %get3A_4 {offsets = [17, 0, 0], sizes = [1, 256, 512], strides = [1, 1, 1]} : vector<19x256x512xf32> to vector<1x256x512xf32>
    %squeeze3A_116 = vector.shape_cast %slice3A_115 : vector<1x256x512xf32> to vector<256x512xf32>
    %gt3A_117 = arith.cmpf ogt, %squeeze3A_116, %select_n3A_111 : vector<256x512xf32>
    %select_n3A_118 = arith.select %gt3A_117, %squeeze3A_116, %select_n3A_111 : vector<256x512xi1>, vector<256x512xf32>
    %jit3A_119 = arith.constant 17 : i32
    %broadcast_in_dim3A_120 = vector.broadcast %jit3A_119 : i32 to vector<256x512xi32>
    %select_n3A_121 = arith.select %gt3A_117, %broadcast_in_dim3A_120, %select_n3A_114 : vector<256x512xi1>, vector<256x512xi32>
    %slice3A_122 = vector.extract_strided_slice %get3A_4 {offsets = [18, 0, 0], sizes = [1, 256, 512], strides = [1, 1, 1]} : vector<19x256x512xf32> to vector<1x256x512xf32>
    %squeeze3A_123 = vector.shape_cast %slice3A_122 : vector<1x256x512xf32> to vector<256x512xf32>
    %gt3A_124 = arith.cmpf ogt, %squeeze3A_123, %select_n3A_118 : vector<256x512xf32>
    %jit3A_125 = arith.constant 18 : i32
    %broadcast_in_dim3A_126 = vector.broadcast %jit3A_125 : i32 to vector<256x512xi32>
    %select_n3A_127 = arith.select %gt3A_124, %broadcast_in_dim3A_126, %select_n3A_121 : vector<256x512xi1>, vector<256x512xi32>
    %shift_left3A = arith.constant 9 : i32
    %shift_left3A_128 = vector.broadcast %shift_left3A : i32 to vector<256x512xi32>
    %shift_left3A_129 = arith.shli %select_n3A_127, %shift_left3A_128 : vector<256x512xi32>
    %get3A_130 = arith.constant 0 : index
    %get3A_131 = arith.constant 0 : index
    %get3A_132 = arith.constant 0 : index
    %get3A_133 = vector.load %arg2[%get3A_130, %get3A_131, %get3A_132] : memref<1x256x512xi32, #tpu.memory_space<vmem>>, vector<1x256x512xi32>
    %get3A_134 = vector.shape_cast %get3A_133 : vector<1x256x512xi32> to vector<256x512xi32>
    %shift_left3A_135 = arith.constant 4 : i32
    %shift_left3A_136 = vector.broadcast %shift_left3A_135 : i32 to vector<256x512xi32>
    %shift_left3A_137 = arith.shli %get3A_134, %shift_left3A_136 : vector<256x512xi32>
    %or3A = arith.ori %shift_left3A_129, %shift_left3A_137 : vector<256x512xi32>
    %slice3A_138 = vector.extract_strided_slice %or3A {offsets = [0, 0], sizes = [128, 512], strides = [1, 1]} : vector<256x512xi32> to vector<128x512xi32>
    %slice3A_139 = vector.extract_strided_slice %or3A {offsets = [128, 0], sizes = [128, 512], strides = [1, 1]} : vector<256x512xi32> to vector<128x512xi32>
    %shift_left3A_140 = arith.constant 16 : i32
    %shift_left3A_141 = vector.broadcast %shift_left3A_140 : i32 to vector<128x512xi32>
    %shift_left3A_142 = arith.shli %slice3A_139, %shift_left3A_141 : vector<128x512xi32>
    %or3A_143 = arith.ori %slice3A_138, %shift_left3A_142 : vector<128x512xi32>
    %swap3A = arith.constant 0 : index
    %swap3A_144 = arith.constant 0 : index
    %swap3A_145 = vector.load %arg3[%swap3A, %swap3A_144] : memref<128x512xi32, #tpu.memory_space<vmem>>, vector<128x512xi32>
    tpu.vector_store %arg3[%swap3A, %swap3A_144], %or3A_143 {strides = array<i32>} : memref<128x512xi32, #tpu.memory_space<vmem>>, vector<128x512xi32>,
    return
  }
  func.func @transform_0(%arg0: i32) -> (i32, i32, i32, i32) {
    %jit3A = arith.constant 2 : i32
    %div3A = arith.divsi %arg0, %jit3A : i32
    %sign3A = arith.constant 0 : i32
    %sign3A_0 = arith.cmpi sgt, %arg0, %sign3A : i32
    %sign3A_1 = arith.extui %sign3A_0 : i1 to i32
    %sign3A_2 = arith.constant 0 : i32
    %sign3A_3 = arith.cmpi slt, %arg0, %sign3A_2 : i32
    %sign3A_4 = arith.extui %sign3A_3 : i1 to i32
    %sign3A_5 = arith.subi %sign3A_1, %sign3A_4 : i32
    %sign3A_6 = arith.constant 0 : i32
    %sign3A_7 = arith.cmpi sgt, %jit3A, %sign3A_6 : i32
    %sign3A_8 = arith.extui %sign3A_7 : i1 to i32
    %sign3A_9 = arith.constant 0 : i32
    %sign3A_10 = arith.cmpi slt, %jit3A, %sign3A_9 : i32
    %sign3A_11 = arith.extui %sign3A_10 : i1 to i32
    %sign3A_12 = arith.subi %sign3A_8, %sign3A_11 : i32
    %ne3A = arith.cmpi ne, %sign3A_5, %sign3A_12 : i32
    %rem3A = arith.remsi %arg0, %jit3A : i32
    %ne3A_13 = arith.constant 0 : i32
    %ne3A_14 = arith.cmpi ne, %rem3A, %ne3A_13 : i32
    %and3A = arith.andi %ne3A, %ne3A_14 : i1
    %sub3A = arith.constant 1 : i32
    %sub3A_15 = arith.subi %div3A, %sub3A : i32
    %select_n3A = arith.select %and3A, %sub3A_15, %div3A : i32
    %jit3A_16 = arith.constant 2 : i32
    %eq3A = arith.constant 0 : i32
    %eq3A_17 = arith.cmpi eq, %jit3A_16, %eq3A : i32
    %jit3A_18 = arith.constant 1 : i32
    %select_n3A_19 = arith.select %eq3A_17, %jit3A_18, %jit3A_16 : i32
    %rem3A_20 = arith.remsi %arg0, %select_n3A_19 : i32
    %ne3A_21 = arith.constant 0 : i32
    %ne3A_22 = arith.cmpi ne, %rem3A_20, %ne3A_21 : i32
    %lt3A = arith.constant 0 : i32
    %lt3A_23 = arith.cmpi slt, %rem3A_20, %lt3A : i32
    %lt3A_24 = arith.constant 0 : i32
    %lt3A_25 = arith.cmpi slt, %select_n3A_19, %lt3A_24 : i32
    %ne3A_26 = arith.xori %lt3A_23, %lt3A_25 : i1
    %and3A_27 = arith.andi %ne3A_26, %ne3A_22 : i1
    %add3A = arith.addi %rem3A_20, %select_n3A_19 : i32
    %select_n3A_28 = arith.select %and3A_27, %add3A, %rem3A_20 : i32
    %c0_i32 = arith.constant 0 : i32
    %c0_i32_29 = arith.constant 0 : i32
    %c0_i32_30 = arith.constant 0 : i32
    return %select_n3A, %c0_i32, %select_n3A_28, %c0_i32_29 : i32, i32, i32, i32
  }
  func.func @transform_1(%arg0: i32) -> (i32, i32, i32) {
    %jit3A = arith.constant 2 : i32
    %div3A = arith.divsi %arg0, %jit3A : i32
    %sign3A = arith.constant 0 : i32
    %sign3A_0 = arith.cmpi sgt, %arg0, %sign3A : i32
    %sign3A_1 = arith.extui %sign3A_0 : i1 to i32
    %sign3A_2 = arith.constant 0 : i32
    %sign3A_3 = arith.cmpi slt, %arg0, %sign3A_2 : i32
    %sign3A_4 = arith.extui %sign3A_3 : i1 to i32
    %sign3A_5 = arith.subi %sign3A_1, %sign3A_4 : i32
    %sign3A_6 = arith.constant 0 : i32
    %sign3A_7 = arith.cmpi sgt, %jit3A, %sign3A_6 : i32
    %sign3A_8 = arith.extui %sign3A_7 : i1 to i32
    %sign3A_9 = arith.constant 0 : i32
    %sign3A_10 = arith.cmpi slt, %jit3A, %sign3A_9 : i32
    %sign3A_11 = arith.extui %sign3A_10 : i1 to i32
    %sign3A_12 = arith.subi %sign3A_8, %sign3A_11 : i32
    %ne3A = arith.cmpi ne, %sign3A_5, %sign3A_12 : i32
    %rem3A = arith.remsi %arg0, %jit3A : i32
    %ne3A_13 = arith.constant 0 : i32
    %ne3A_14 = arith.cmpi ne, %rem3A, %ne3A_13 : i32
    %and3A = arith.andi %ne3A, %ne3A_14 : i1
    %sub3A = arith.constant 1 : i32
    %sub3A_15 = arith.subi %div3A, %sub3A : i32
    %select_n3A = arith.select %and3A, %sub3A_15, %div3A : i32
    %jit3A_16 = arith.constant 2 : i32
    %eq3A = arith.constant 0 : i32
    %eq3A_17 = arith.cmpi eq, %jit3A_16, %eq3A : i32
    %jit3A_18 = arith.constant 1 : i32
    %select_n3A_19 = arith.select %eq3A_17, %jit3A_18, %jit3A_16 : i32
    %rem3A_20 = arith.remsi %arg0, %select_n3A_19 : i32
    %ne3A_21 = arith.constant 0 : i32
    %ne3A_22 = arith.cmpi ne, %rem3A_20, %ne3A_21 : i32
    %lt3A = arith.constant 0 : i32
    %lt3A_23 = arith.cmpi slt, %rem3A_20, %lt3A : i32
    %lt3A_24 = arith.constant 0 : i32
    %lt3A_25 = arith.cmpi slt, %select_n3A_19, %lt3A_24 : i32
    %ne3A_26 = arith.xori %lt3A_23, %lt3A_25 : i1
    %and3A_27 = arith.andi %ne3A_26, %ne3A_22 : i1
    %add3A = arith.addi %rem3A_20, %select_n3A_19 : i32
    %select_n3A_28 = arith.select %and3A_27, %add3A, %rem3A_20 : i32
    %c0_i32 = arith.constant 0 : i32
    %c0_i32_29 = arith.constant 0 : i32
    return %select_n3A, %select_n3A_28, %c0_i32 : i32, i32, i32
  }
  func.func @transform_2(%arg0: i32) -> (i32, i32) {
    %c0_i32 = arith.constant 0 : i32
    %c0_i32_0 = arith.constant 0 : i32
    return %arg0, %c0_i32 : i32, i32
  }
}

</mosaic_0001>

<sc_bundles>
// kernel: kernel.5.cloned.1.call-start
scs
__scs_entry_jumppad:
0x0: {  	(pc) =	sbr.rel $0x88, $3  }
0x1: {  	(tag) =	ssettag $0x0;
	lr =	simm.s32 $0x1  }
0x2: {  	[smem:$0x3F9F] =	sst lr;
	_ =	strace $0xD0000000  }
0x3: {  	_ = 	snop  }
0x4: {  	_ = 	snop  }
0x5: {  	_ = 	snop  }
0x6: {  	_ = 	snop  }
0x7: {  	_ = 	snop  }
__scs_overlays_trampoline_lowered:
0x8: {  	[smem:$0x3FAE] =	sst s0  }
0x9: {  	[smem:$0x3FAF] =	sst s1  }
0xa: {  	[smem:$0x3FB0] =	sst s2  }
0xb: {  	[smem:$0x3FB1] =	sst s3  }
0xc: {  	[smem:$0x3FB2] =	sst s4  }
0xd: {  	[smem:$0x3FB3] =	sst s5  }
0xe: {  	[smem:$0x3FB4] =	sst s6  }
0xf: {  	[smem:$0x3FB5] =	sst s7  }
0x10: {  	[smem:$0x3FB6] =	sst s8  }
0x11: {  	[smem:$0x3FB7] =	sst s9;
	s0 =	simm.s32 @!p0 $0x0  }
0x12: {  	s1 =	sld [smem:$0x3F9D];
	s0 =	simm.s32 @p0 $0x1  }
0x13: {  	[smem:$0x3FB8] =	sst s0;
	s0 =	simm.s32 @!p1 $0x0  }
0x14: {  	s2 =	sld [smem:$0x3F9C];
	s0 =	simm.s32 @p1 $0x1  }
0x15: {  	[smem:$0x3FB9] =	sst s0;
	s0 =	simm.s32 @!p2 $0x0  }
0x16: {  	s3 =	sld [smem:$0x3FDB];
	s0 =	simm.s32 @p2 $0x1  }
0x17: {  	s4 =	simm.s32 $0x1BF5;
	[smem:$0x3FBB] =	sst s0  }
0x18: {  	s0 =	sld [smem:$0x3F9E];
	_ =	swait.ge [sflag:s4], $0x0  }
0x19: {  	s7 =	sld [smem:$0x3F9F]  }
0x1a: {  	s8 =	sadd.s32 $0xFFFFE003, lr  }
0x1b: {  	s9 =	sadd.s32 $0xFFFFFEF7, lr;
	s5 =	simm.s32 $0xFFFFFFFF;
	p2 =	slt.u32 s8, $0xFFFFF086  }
0x1c: {  	p1 =	slt.u32 s9, $0xF7A;
	s5 =	simm.s32 @!p2 $0x0  }
0x1d: {  	s5 =	simm.s32 @p1 $0x1;
	p0 =	seq.s32 s7, s2  }
0x1e: {  	s7 =	smul.u32 @!p0 $0xF7A, s2;
	p2 =	seq.s32 @!p0 s5, $0x0  }
0x1f: {  	s9 =	smul.u32 $0xF7A, s1;
	s8 =	simm.s32 @!p0 $0x1BF5;
	p2 =	por !p2, p0  }
0x20: {  	[sflag:s8] =	ssyncset.s32 @!p0 $0xFFFFF086;
	s6 =	sadd.s32 @!p0 s3, s7;
	s7 =	simm.s32 @!p0 $0x108  }
0x21: {  	s3 =	sadd.s32 s3, s9;
	s6 =	sadd.s32 @!p0 $0x88, s6;
	s7 =	simm.s32 @p2 $0x1082  }
0x22: {  	[simem:s7], [sflag:s8] =	dma.local @!p0 [hbm:s6], $0xF7A  }
0x23: {  	s9 =	sor.u32 $0xD0000000, s2;
	s6 =	simm.s32 $0x108;
	_ =	swait.ge @!p0 [sflag:s8], $0x0  }
0x24: {  	s3 =	sadd.s32 $0x88, s3;
	s6 =	simm.s32 @!p1 $0x1082;
	[sflag:s4] =	ssyncset.s32 $0xFFFFF086  }
0x25: {  	[simem:s6], [sflag:s4] =	dma.local [hbm:s3], $0xF7A  }
0x26: {  	[smem:$0x3F9F] =	sst s1;
	(tag) =	ssettag s2;
	_ =	strace s9  }
0x27: {  	s1 =	sld [smem:$0x3FAF]  }
0x28: {  	s2 =	sld [smem:$0x3FB0]  }
0x29: {  	s4 =	sld [smem:$0x3FB2]  }
0x2a: {  	p0 =	seq.s32 s5, $0x0;
	s5 =	sld [smem:$0x3FB3]  }
0x2b: {  	s6 =	sld [smem:$0x3FB4]  }
0x2c: {  	s7 =	sld [smem:$0x3FB5]  }
0x2d: {  	s3 =	simm.s32 $0x108;
	s8 =	sld [smem:$0x3FB6]  }
0x2e: {  	s3 =	simm.s32 @!p0 $0x1082;
	s9 =	sld [smem:$0x3FB7]  }
0x2f: {  	lr =	sadd.s32 s0, s3;
	s0 =	sld [smem:$0x3FAE]  }
0x30: {  	s3 =	sld [smem:$0x3FB1]  }
0x31: {  	[smem:$0x3FBA] =	sst s10  }
0x32: {  	s10 =	sld [smem:$0x3FB8];
	_ =	sdelay $0x3  }
0x33: {  	p0 =	seq.s32 s10, $0x1;
	s10 =	sld [smem:$0x3FBA];
	_ =	sdelay $0x3  }
0x34: {  	[smem:$0x3FBA] =	sst s10  }
0x35: {  	s10 =	sld [smem:$0x3FB9];
	_ =	sdelay $0x3  }
0x36: {  	p1 =	seq.s32 s10, $0x1;
	s10 =	sld [smem:$0x3FBA];
	_ =	sdelay $0x3  }
0x37: {  	[smem:$0x3FBA] =	sst s10  }
0x38: {  	s10 =	sld [smem:$0x3FBB]  }
0x39: {  	_ = 	snop;
	(pc) =	sbr.ind lr, $3  }
0x3a: {  	_ = 	snop  }
0x3b: {  	_ = 	snop  }
0x3c: {  	p2 =	seq.s32 s10, $0x1;
	s10 =	sld [smem:$0x3FBA]  }
0x3d: {  	_ =	shalt  }
0x3e: {  	_ =	shalt  }
0x3f: {  	_ =	shalt  }
0x40: {  	_ =	shalt  }
0x41: {  	_ =	shalt  }
0x42: {  	_ =	shalt  }
0x43: {  	_ =	shalt  }
0x44: {  	_ =	shalt  }
0x45: {  	_ =	shalt  }
0x46: {  	_ =	shalt  }
0x47: {  	_ =	shalt  }
0x48: {  	_ =	shalt  }
0x49: {  	_ =	shalt  }
0x4a: {  	_ =	shalt  }
0x4b: {  	_ =	shalt  }
0x4c: {  	_ =	shalt  }
0x4d: {  	_ =	shalt  }
0x4e: {  	_ =	shalt  }
0x4f: {  	_ =	shalt  }
0x50: {  	_ =	shalt  }
0x51: {  	_ =	shalt  }
0x52: {  	_ =	shalt  }
0x53: {  	_ =	shalt  }
0x54: {  	_ =	shalt  }
0x55: {  	_ =	shalt  }
0x56: {  	_ =	shalt  }
0x57: {  	_ =	shalt  }
0x58: {  	_ =	shalt  }
0x59: {  	_ =	shalt  }
0x5a: {  	_ =	shalt  }
0x5b: {  	_ =	shalt  }
0x5c: {  	_ =	shalt  }
0x5d: {  	_ =	shalt  }
0x5e: {  	_ =	shalt  }
0x5f: {  	_ =	shalt  }
0x60: {  	_ =	shalt  }
0x61: {  	_ =	shalt  }
0x62: {  	_ =	shalt  }
0x63: {  	_ =	shalt  }
0x64: {  	_ =	shalt  }
0x65: {  	_ =	shalt  }
0x66: {  	_ =	shalt  }
0x67: {  	_ =	shalt  }
0x68: {  	_ =	shalt  }
0x69: {  	_ =	shalt  }
0x6a: {  	_ =	shalt  }
0x6b: {  	_ =	shalt  }
0x6c: {  	_ =	shalt  }
0x6d: {  	_ =	shalt  }
0x6e: {  	_ =	shalt  }
0x6f: {  	_ =	shalt  }
0x70: {  	_ =	shalt  }
0x71: {  	_ =	shalt  }
0x72: {  	_ =	shalt  }
0x73: {  	_ =	shalt  }
0x74: {  	_ =	shalt  }
0x75: {  	_ =	shalt  }
0x76: {  	_ =	shalt  }
0x77: {  	_ =	shalt  }
0x78: {  	_ =	shalt  }
0x79: {  	_ =	shalt  }
0x7a: {  	_ =	shalt  }
0x7b: {  	_ =	shalt  }
0x7c: {  	_ =	shalt  }
0x7d: {  	_ =	shalt  }
0x7e: {  	_ =	shalt  }
0x7f: {  	_ =	shalt  }
0x80: {  	_ =	shalt  }
0x81: {  	_ =	shalt  }
0x82: {  	_ =	shalt  }
0x83: {  	_ =	shalt  }
0x84: {  	_ =	shalt  }
0x85: {  	_ =	shalt  }
0x86: {  	_ =	shalt  }
0x87: {  	_ =	shalt  }
.Lfunc_end0:
.L_simem_size_0:
called_computation_lowered:
.L_overlay_start_0:
0x88: {  	s2 =	sld [smem:$0x3FD9]  }
0x89: {  	s3 =	sld [smem:$0x3FFE];
	_ =	sdelay $0x1  }
0x8a: {  	s1 =	srdreg.scid  }
0x8b: {  	s0 =	sand.u32 $0x1, s1  }
0x8c: {  	s16 =	sshll.u32 s0, $0xA;
	s2 =	sadd.s32 s3, s2  }
0x8d: {  	s2 =	sadd.s32 s2, s16  }
0x8e: {  	[smem:$0x3FC6] =	sst s2  }
0x8f: {  	_ = 	snop  }
0x90: {  	(tm) =	ssettm $0x1  }
0x91: {  	s17 =	sld [smem:$0x3FFB];
	_ =	sdelay $0x3  }
0x92: {  	_ =	strace s17  }
0x93: {  	s2 =	sld [smem:$0x3FFC];
	_ =	sdelay $0x3  }
0x94: {  	_ =	strace s2  }
0x95: {  	s2 =	sld [smem:$0x3FFD];
	_ =	sdelay $0x3  }
0x96: {  	_ =	strace s2  }
0x97: {  	_ =	strace $0x8FFFFFFF  }
0x98: {  	s18 =	sld [smem:$0x3FDB];
	_ =	sdelay $0x1  }
0x99: {  	s19 =	simm.s32 $_scs_section_size  }
0x9a: {  	s4 =	simm.s32 $_size__tile_overlayer_lowered;
	s5 =	simm.s32 $_tile_overlayer_lowered  }
0x9b: {  	s22 =	simm.s32 $0x1BFF;
	s21 =	sshll.u32 s5, $0x1;
	s2 =	sadd.s32 s19, s18  }
0x9c: {  	s6 =	simm.s32 $0x0;
	s20 =	sshll.u32 s4, $0x1;
	s4 =	sadd.s32 s21, s2  }
0x9d: {  	[timem:s6], [sflag:s22] =	dma.local [hbm:s4], s20  }
0x9e: {  	_ =	swait.ge [sflag:s22], s20  }
0x9f: {  	s3 =	ssub.s32 $0x0, s20;
	[sflag:s22] =	ssyncset.done $0x0  }
0xa0: {  	[sflag:s22] =	ssyncadd.s32 s3;
	_ =	sdelay $0x1  }
0xa1: {  	s23 =	simm.s32 $0x1B8B  }
0xa2: {  	_ =	swait.ge [sflag:s23], $0x1  }
0xa3: {  	[sflag:s23] =	ssyncset.done $0x0  }
0xa4: {  	s25 =	simm.s32 $0x1B8E;
	s24 =	sld [smem:$0x3FFE];
	[sflag:s23] =	ssyncadd.s32 $0xFFFFFFFF  }
0xa5: {  	s26 =	simm.s32 $execute0_lowered;
	[smem:$0x3FD2] =	sst s25  }
0xa6: {  	s4 =	sshll.u32 s26, $0x1;
	_ =	strace $0x80000046;
	[dreg:$0x1] =	wrdreg $0xFFFFFFFF  }
0xa7: {  	s28 =	simm.s32 $_size_execute0_lowered;
	s2 =	sadd.s32 s2, s4;
	[dreg:$0x0] =	wrdreg $0x0  }
0xa8: {  	s4 =	sshll.u32 s28, $0x1;
	[dreg:$0x2] =	wrdreg s2  }
0xa9: {  	[dreg:$0x3] =	wrdreg s4  }
0xaa: {  	[dreg:$0x4] =	wrdreg $0xC0  }
0xab: {  	_ =	task [dreg:s6], $0x5FFFF  }
0xac: {  	[dreg:$0x1] =	wrdreg $0xFFFFFFFF  }
0xad: {  	[dreg:$0x0] =	wrdreg $0x60  }
0xae: {  	[dreg:$0x2] =	wrdreg s24  }
0xaf: {  	[dreg:$0x3] =	wrdreg $0x9  }
0xb0: {  	_ =	task.clear_ibuf [dreg:s6], $0x4FFFF;
	_ =	strace $0x90000046  }
0xb1: {  	s29 =	simm.s32 $0x9;
	_ =	strace $0x80000048  }
0xb2: {  	_ =	swait.ge [sflag:s29], $0x1  }
0xb3: {  	[sflag:s29] =	ssyncadd.s32 $0xFFFFFFFF  }
0xb4: {  	_ =	strace $0x90000048  }
0xb5: {  	_ =	sfence  }
0xb6: {  	s30 =	sld [smem:$0x0];
	_ =	sdelay $0x2  }
0xb7: {  	s31 =	sshll.u32 s1, $0xD;
	s1 =	sshrl.u32 s1, $0x2  }
0xb8: {  	s3 =	sand.u32 $0x4000, s31;
	s1 =	sadd.s32 s1, s30  }
0xb9: {  	s0 =	sor.u32 s3, s0;
	s1 =	sshll.u32 s1, $0x11  }
0xba: {  	s0 =	sor.u32 s1, s0  }
0xbb: {  	s0 =	sadd.s32 $0x8F2B, s0  }
0xbc: {  	[sflag:s0] =	ssyncadd.remote.s32 $0x1  }
0xbd: {  	_ =	sfence.sel $0xFFFF  }
0xbe: {  	[dreg:$0x0] =	wrdreg $0xFFFFFFFF;
	(pc) =	sbr.abs _section_cstart, $3  }
0xbf: {  	[dreg:$0x1] =	wrdreg $0xFFFFFFFF  }
0xc0: {  	_ =	task.clear_ibuf [dreg:s6], $0x2FFFF;
	_ =	strace $0x9FFFFFFF  }
0xc1: {  	(tm) =	ssettm $0x7FFFFFFF  }
tec
execute0_lowered:
.L_overlay_start_1:
0x0: {  	(tag) =	ssettag $0x1  }
0x1: {  	s1 =	srdreg.scid  }
0x2: {  	s0 =	stileid.u32;
	s3 =	rddreg [dreg:$0x0]  }
0x3: {  	s8 =	simm.s32 $0x4000;
	s9 =	simm.s32 $0x8000;
	s10 =	simm.s32 $0x2  }
0x4: {  	s11 =	simm.s32 $0x80;
	s12 =	simm.s32 $0x400;
	s13 =	simm.s32 $0x3  }
0x5: {  	s4 =	sand.u32 $0x1, s1;
	s2 =	sshll.u32 s0, $0x1;
	s1 =	rddreg [dreg:$0x1]  }
0x6: {  	s6 =	sshrl.u32 s0, $0x2;
	s5 =	sor.u32 s4, s2;
	s2 =	simm.s32 $0x0  }
0x7: {  	s6 =	smul.u32 $0x13000, s6;
	s4 =	ssub.s32 $0x2, s4;
	s7 =	sshll.u32 s5, $0x7  }
0x8: {  	[smem:$0x7FF] =	sst s2;
	s5 =	sshll.u32 s5, $0xC;
	s7 =	sand.u32 $0x380, s7  }
0x9: {  	s30 =	sshrl.u32 s4, $0x1;
	_ =	strace $0x80000047;
	s6 =	sor.u32 s6, s7  }
0xa: {  	s5 =	sadd.s32 s5, s3;
	s31 =	ssub.s32 s4, s30;
	s6 =	sshrl.u32 s6, $0x3  }
0xb: {  	s4 =	sadd.s32 $0x1200, s5;
	s7 =	simm.s32 $0x1;
	s6 =	sadd.s32 s6, s3  }
0xc: {  	v0 =	vimm.s32 $0x0;
	v1 =	vlaneseq.u32;
	v2 =	vimm.s32 $0x1;
	s3 =	sadd.s32 $0xA00, s5;
	s5 =	sadd.s32 $0x20A00, s6;
	s6 =	smax.u32 s31, $0x1  }
.LBB2_1:
0xd: {  	s14 =	simm.s32 $0x8040  }
0xe: {  	[tilespmem:s14+$0xFFFFFFC0] =	vst v0  }
0xf: {  	[tilespmem:s14+$0x30] =	vst v0  }
0x10: {  	[tilespmem:s14+$0x20] =	vst v0  }
0x11: {  	[tilespmem:s14+$0x10] =	vst v0  }
0x12: {  	[tilespmem:s14+$0x0] =	vst v0  }
0x13: {  	[tilespmem:s14+$0xFFFFFFF0] =	vst v0  }
0x14: {  	s15 =	simm.s32 $0x0;
	[tilespmem:s14+$0xFFFFFFE0] =	vst v0  }
.LBB2_2:
0x15: {  	s15 =	sadd.s32 $0x8, s15;
	[tilespmem:s14+$0xFFFFFFD0] =	vst v0;
	s14 =	sadd.s32 $0x80, s14  }
0x16: {  	[tilespmem:s14+$0xFFFFFFC0] =	vst v0;
	p0 =	slt.u32 s15, $0x258  }
0x17: {  	[tilespmem:s14+$0x30] =	vst v0  }
.Ltmp0:
0x18: {  	[tilespmem:s14+$0x20] =	vst v0;
	(pc) =	sbr.rel @p0 .LBB2_2-.Ltmp0, $4  }
0x19: {  	[tilespmem:s14+$0x10] =	vst v0  }
0x1a: {  	[tilespmem:s14+$0x0] =	vst v0  }
0x1b: {  	[tilespmem:s14+$0xFFFFFFF0] =	vst v0  }
0x1c: {  	[tilespmem:s14+$0xFFFFFFE0] =	vst v0  }
0x1d: {  	[tilespmem:s14+$0xFFFFFFD0] =	vst v0;
	s14 =	simm.s32 $0x0;
	s15 =	simm.s32 $0x0  }
0x1e: {  	[tilespmem:s14], [sflag:$0x1] =	stream.linear.gather [hbm4b:s3+s14], $0x4000, $0x38;
	[tilespmem:$0xA600] =	vst v63  }
0x1f: {  	s16 =	simm.s32 $0x0;
	s15 =	sand.u32 $0x3000, s15;
	s17 =	sand.u32 $0xC00, s14  }
0x20: {  	s18 =	sand.u32 $0x3000, s14;
	s16 =	sand.u32 $0x380, s16;
	_ =	swait.ge [sflag:s7], $0x4000  }
0x21: {  	s17 =	sor.u32 s17, s15;
	s18 =	sshrl.u32 s18, $0x2;
	[sflag:s7] =	ssyncset.done $0x0  }
0x22: {  	s17 =	sor.u32 s16, s17;
	s15 =	sor.u32 s18, s15;
	[sflag:s7] =	ssyncadd.s32 $0xFFFFC000  }
0x23: {  	[tilespmem:s8], [sflag:$0x2] =	stream.linear.gather [hbm4b:s4+s14], $0x4000, $0x38;
	[tilespmem:$0xA600] =	vst v63  }
0x24: {  	s15 =	sor.u32 s16, s15;
	v3 =	vld [tilespmem:s17+$0x70]  }
0x25: {  	v4 =	vld [tilespmem:s15+$0x0]  }
0x26: {  	v5 =	vld [tilespmem:s17+$0x10];
	_ =	sdelay $0x1  }
0x27: {  	v6 =	vld [tilespmem:s17+$0x20]  }
0x28: {  	v7 =	vld [tilespmem:s17+$0x30];
	v8 =	vor.u32 v1, v3  }
0x29: {  	v9 =	vld [tilespmem:s17+$0x40];
	v11 =	vor.u32 v1, v4;
	v8 =	vand.u32 $0xFFFF, v8  }
0x2a: {  	v10 =	vld [tilespmem:s17+$0x50];
	v12 =	vshrl.u32 v5, $0x10;
	v5 =	vor.u32 v1, v5;
	v11 =	vand.u32 $0xFFFF, v11  }
0x2b: {  	v3 =	vshrl.u32 v3, $0x10;
	v5 =	vand.u32 $0xFFFF, v5  }
0x2c: {  	v4 =	vshrl.u32 v4, $0x10;
	v14 =	vshrl.u32 v6, $0x10;
	v3 =	vor.u32 v1, v3  }
0x2d: {  	v13 =	vld [tilespmem:s17+$0x60];
	v6 =	vor.u32 v1, v6;
	v15 =	vshrl.u32 v7, $0x10;
	v4 =	vor.u32 v1, v4  }
0x2e: {  	v7 =	vor.u32 v1, v7;
	v16 =	vshrl.u32 v9, $0x10;
	v17 =	vor.u32 v1, v12;
	[tilespmem:v8+s9+$0x0] =	vst.idx.add.s32.msk $0xffff, v2  }
0x2f: {  	v18 =	vshrl.u32 v10, $0x10;
	v19 =	vor.u32 v1, v10;
	v12 =	vand.u32 $0xFFFF, v6;
	[tilespmem:v11+s9+$0x0] =	vst.idx.add.s32.msk $0xffff, v2  }
0x30: {  	v10 =	vand.u32 $0xFFFF, v7;
	v7 =	vor.u32 v1, v16;
	v11 =	vor.u32 v1, v14;
	[tilespmem:v5+s9+$0x0] =	vst.idx.add.s32.msk $0xffff, v2  }
0x31: {  	v6 =	vand.u32 $0xFFFF, v19;
	v8 =	vor.u32 v1, v9;
	v9 =	vor.u32 v1, v15;
	[tilespmem:v3+s9+$0x0] =	vst.idx.add.s32.msk $0xffff, v2  }
0x32: {  	v5 =	vor.u32 v1, v18;
	v3 =	vshrl.u32 v13, $0x10;
	v13 =	vor.u32 v1, v13;
	[tilespmem:v4+s9+$0x0] =	vst.idx.add.s32.msk $0xffff, v2  }
0x33: {  	s16 =	simm.s32 $0x1000;
	s15 =	simm.s32 $0x0;
	v8 =	vand.u32 $0xFFFF, v8;
	[tilespmem:v17+s9+$0x0] =	vst.idx.add.s32.msk $0xffff, v2;
	v4 =	vand.u32 $0xFFFF, v13;
	v3 =	vor.u32 v1, v3  }
.LBB2_4:
0x34: {  	s17 =	sand.u32 $0x3000, s16;
	[tilespmem:v12+s9+$0x0] =	vst.idx.add.s32.msk $0xffff, v2  }
0x35: {  	s15 =	sadd.s32 $0x8, s15;
	s17 =	sshrl.u32 s17, $0x2;
	[tilespmem:v11+s9+$0x0] =	vst.idx.add.s32.msk $0xffff, v2  }
0x36: {  	s14 =	sadd.s32 $0x400, s14;
	s18 =	sshll.u32 s15, $0x4;
	p0 =	slt.u32 s15, $0x3F8;
	[tilespmem:v10+s9+$0x0] =	vst.idx.add.s32.msk $0xffff, v2  }
0x37: {  	s19 =	sshll.u32 s15, $0x2;
	s20 =	sand.u32 $0xC00, s14;
	s18 =	sand.u32 $0x3000, s18;
	[tilespmem:v9+s9+$0x0] =	vst.idx.add.s32.msk $0xffff, v2  }
0x38: {  	s19 =	sand.u32 $0x380, s19;
	s17 =	sor.u32 s17, s18;
	s18 =	sor.u32 s20, s18;
	[tilespmem:v8+s9+$0x0] =	vst.idx.add.s32.msk $0xffff, v2  }
0x39: {  	s17 =	sor.u32 s19, s17;
	s18 =	sor.u32 s19, s18;
	[tilespmem:v7+s9+$0x0] =	vst.idx.add.s32.msk $0xffff, v2  }
0x3a: {  	v7 =	vld [tilespmem:s18+$0x70]  }
0x3b: {  	v8 =	vld [tilespmem:s17+$0x0]  }
0x3c: {  	v9 =	vld [tilespmem:s18+$0x10]  }
0x3d: {  	v10 =	vld [tilespmem:s18+$0x20]  }
0x3e: {  	v11 =	vld [tilespmem:s18+$0x30]  }
0x3f: {  	v12 =	vld [tilespmem:s18+$0x40];
	v13 =	vor.u32 v1, v7  }
0x40: {  	v7 =	vshrl.u32 v7, $0x10;
	v14 =	vshrl.u32 v8, $0x10;
	v15 =	vld [tilespmem:s18+$0x50];
	v13 =	vand.u32 $0xFFFF, v13  }
0x41: {  	v8 =	vor.u32 v1, v8;
	v7 =	vor.u32 v1, v7;
	v16 =	vshrl.u32 v9, $0x10;
	v17 =	vld [tilespmem:s18+$0x60]  }
0x42: {  	v9 =	vor.u32 v1, v9;
	v18 =	vshrl.u32 v10, $0x10;
	v10 =	vor.u32 v1, v10;
	[tilespmem:v6+s9+$0x0] =	vst.idx.add.s32.msk $0xffff, v2  }
0x43: {  	v6 =	vand.u32 $0xFFFF, v8;
	v8 =	vshrl.u32 v11, $0x10;
	v19 =	vor.u32 v1, v11;
	[tilespmem:v5+s9+$0x0] =	vst.idx.add.s32.msk $0xffff, v2  }
0x44: {  	v5 =	vor.u32 v1, v14;
	v14 =	vshrl.u32 v12, $0x10;
	v20 =	vor.u32 v1, v12;
	[tilespmem:v4+s9+$0x0] =	vst.idx.add.s32.msk $0xffff, v2  }
0x45: {  	v21 =	vand.u32 $0xFFFF, v9;
	v4 =	vshrl.u32 v15, $0x10;
	v15 =	vor.u32 v1, v15;
	[tilespmem:v13+s9+$0x0] =	vst.idx.add.s32.msk $0xffff, v2  }
0x46: {  	v13 =	vor.u32 v1, v16;
	v16 =	vshrl.u32 v17, $0x10;
	v17 =	vor.u32 v1, v17;
	[tilespmem:v7+s9+$0x0] =	vst.idx.add.s32.msk $0xffff, v2  }
.Ltmp1:
0x47: {  	v11 =	vor.u32 v1, v18;
	v12 =	vand.u32 $0xFFFF, v10;
	v10 =	vand.u32 $0xFFFF, v19;
	[tilespmem:v3+s9+$0x0] =	vst.idx.add.s32.msk $0xffff, v2;
	(pc) =	sbr.rel @p0 .LBB2_4-.Ltmp1, $4  }
0x48: {  	v9 =	vor.u32 v1, v8;
	v8 =	vand.u32 $0xFFFF, v20;
	v7 =	vor.u32 v1, v14;
	[tilespmem:v6+s9+$0x0] =	vst.idx.add.s32.msk $0xffff, v2  }
0x49: {  	v6 =	vand.u32 $0xFFFF, v15;
	[tilespmem:v5+s9+$0x0] =	vst.idx.add.s32.msk $0xffff, v2;
	v5 =	vor.u32 v1, v4;
	v4 =	vand.u32 $0xFFFF, v17  }
0x4a: {  	v3 =	vor.u32 v1, v16;
	[tilespmem:v21+s9+$0x0] =	vst.idx.add.s32.msk $0xffff, v2  }
0x4b: {  	s16 =	sadd.s32 $0x1000, s16;
	[tilespmem:v13+s9+$0x0] =	vst.idx.add.s32.msk $0xffff, v2  }
0x4c: {  	_ =	sdelay $0x3  }
0x4d: {  	[tilespmem:v12+s9+$0x0] =	vst.idx.add.s32.msk $0xffff, v2  }
0x4e: {  	[tilespmem:v10+s9+$0x0] =	vst.idx.add.s32.msk $0xffff, v2  }
0x4f: {  	[tilespmem:v8+s9+$0x0] =	vst.idx.add.s32.msk $0xffff, v2  }
0x50: {  	[tilespmem:v6+s9+$0x0] =	vst.idx.add.s32.msk $0xffff, v2  }
0x51: {  	[tilespmem:v4+s9+$0x0] =	vst.idx.add.s32.msk $0xffff, v2  }
0x52: {  	[tilespmem:v11+s9+$0x0] =	vst.idx.add.s32.msk $0xffff, v2  }
0x53: {  	[tilespmem:v9+s9+$0x0] =	vst.idx.add.s32.msk $0xffff, v2  }
0x54: {  	[tilespmem:v7+s9+$0x0] =	vst.idx.add.s32.msk $0xffff, v2  }
0x55: {  	s15 =	simm.s32 $0x0;
	s14 =	simm.s32 $0x0;
	s16 =	simm.s32 $0x0;
	[tilespmem:v5+s9+$0x0] =	vst.idx.add.s32.msk $0xffff, v2  }
0x56: {  	[tilespmem:v3+s9+$0x0] =	vst.idx.add.s32.msk $0xffff, v2;
	s15 =	sand.u32 $0x3000, s15;
	s17 =	sand.u32 $0xC00, s14;
	s18 =	sand.u32 $0x3000, s14  }
0x57: {  	s16 =	sand.u32 $0x380, s16;
	_ =	swait.ge [sflag:s10], $0x4000;
	s15 =	sor.u32 $0x4000, s15  }
0x58: {  	s18 =	sshrl.u32 s18, $0x2;
	[sflag:s10] =	ssyncset.done $0x0;
	s17 =	sor.u32 s17, s15  }
0x59: {  	s15 =	sor.u32 s18, s15;
	[sflag:s10] =	ssyncadd.s32 $0xFFFFC000;
	s17 =	sor.u32 s16, s17  }
0x5a: {  	s15 =	sor.u32 s16, s15;
	v3 =	vld [tilespmem:s17+$0x70]  }
0x5b: {  	v4 =	vld [tilespmem:s15+$0x0]  }
0x5c: {  	v5 =	vld [tilespmem:s17+$0x10];
	_ =	sdelay $0x1  }
0x5d: {  	v6 =	vld [tilespmem:s17+$0x20]  }
0x5e: {  	v7 =	vld [tilespmem:s17+$0x30];
	v8 =	vor.u32 v1, v3  }
0x5f: {  	v9 =	vld [tilespmem:s17+$0x40];
	v11 =	vor.u32 v1, v4;
	v8 =	vand.u32 $0xFFFF, v8  }
0x60: {  	v10 =	vld [tilespmem:s17+$0x50];
	v12 =	vshrl.u32 v5, $0x10;
	v5 =	vor.u32 v1, v5;
	v11 =	vand.u32 $0xFFFF, v11  }
0x61: {  	v3 =	vshrl.u32 v3, $0x10;
	v5 =	vand.u32 $0xFFFF, v5  }
0x62: {  	v4 =	vshrl.u32 v4, $0x10;
	v14 =	vshrl.u32 v6, $0x10;
	v3 =	vor.u32 v1, v3  }
0x63: {  	v13 =	vld [tilespmem:s17+$0x60];
	v6 =	vor.u32 v1, v6;
	v15 =	vshrl.u32 v7, $0x10;
	v4 =	vor.u32 v1, v4  }
0x64: {  	v7 =	vor.u32 v1, v7;
	v16 =	vshrl.u32 v9, $0x10;
	v17 =	vor.u32 v1, v12;
	[tilespmem:v8+s9+$0x0] =	vst.idx.add.s32.msk $0xffff, v2  }
0x65: {  	v18 =	vshrl.u32 v10, $0x10;
	v19 =	vor.u32 v1, v10;
	v12 =	vand.u32 $0xFFFF, v6;
	[tilespmem:v11+s9+$0x0] =	vst.idx.add.s32.msk $0xffff, v2  }
0x66: {  	v10 =	vand.u32 $0xFFFF, v7;
	v7 =	vor.u32 v1, v16;
	v11 =	vor.u32 v1, v14;
	[tilespmem:v5+s9+$0x0] =	vst.idx.add.s32.msk $0xffff, v2  }
0x67: {  	v6 =	vand.u32 $0xFFFF, v19;
	v8 =	vor.u32 v1, v9;
	v9 =	vor.u32 v1, v15;
	[tilespmem:v3+s9+$0x0] =	vst.idx.add.s32.msk $0xffff, v2  }
0x68: {  	v5 =	vor.u32 v1, v18;
	v3 =	vshrl.u32 v13, $0x10;
	v13 =	vor.u32 v1, v13;
	[tilespmem:v4+s9+$0x0] =	vst.idx.add.s32.msk $0xffff, v2  }
0x69: {  	s16 =	simm.s32 $0x0;
	s15 =	simm.s32 $0x0;
	v8 =	vand.u32 $0xFFFF, v8;
	[tilespmem:v17+s9+$0x0] =	vst.idx.add.s32.msk $0xffff, v2;
	v4 =	vand.u32 $0xFFFF, v13;
	v3 =	vor.u32 v1, v3  }
.LBB2_6:
0x6a: {  	s15 =	sadd.s32 $0x8, s15;
	[tilespmem:v12+s9+$0x0] =	vst.idx.add.s32.msk $0xffff, v2;
	s14 =	sadd.s32 $0x1000, s14  }
0x6b: {  	s17 =	sshll.u32 s15, $0x4;
	s18 =	sand.u32 $0x3000, s14;
	p0 =	slt.u32 s15, $0x3F8;
	[tilespmem:v11+s9+$0x0] =	vst.idx.add.s32.msk $0xffff, v2  }
0x6c: {  	s16 =	sadd.s32 $0x400, s16;
	s17 =	sand.u32 $0x3000, s17;
	s18 =	sshrl.u32 s18, $0x2;
	[tilespmem:v10+s9+$0x0] =	vst.idx.add.s32.msk $0xffff, v2  }
0x6d: {  	s19 =	sshll.u32 s15, $0x2;
	s20 =	sand.u32 $0xC00, s16;
	s17 =	sor.u32 $0x4000, s17;
	[tilespmem:v9+s9+$0x0] =	vst.idx.add.s32.msk $0xffff, v2  }
0x6e: {  	s19 =	sand.u32 $0x380, s19;
	s18 =	sor.u32 s18, s17;
	s17 =	sor.u32 s20, s17;
	[tilespmem:v8+s9+$0x0] =	vst.idx.add.s32.msk $0xffff, v2  }
0x6f: {  	s18 =	sor.u32 s19, s18;
	s17 =	sor.u32 s19, s17;
	[tilespmem:v7+s9+$0x0] =	vst.idx.add.s32.msk $0xffff, v2  }
0x70: {  	v7 =	vld [tilespmem:s17+$0x70]  }
0x71: {  	v8 =	vld [tilespmem:s18+$0x0]  }
0x72: {  	v9 =	vld [tilespmem:s17+$0x10]  }
0x73: {  	v10 =	vld [tilespmem:s17+$0x20]  }
0x74: {  	v11 =	vld [tilespmem:s17+$0x30]  }
0x75: {  	v12 =	vld [tilespmem:s17+$0x40];
	v13 =	vor.u32 v1, v7  }
0x76: {  	v7 =	vshrl.u32 v7, $0x10;
	v14 =	vshrl.u32 v8, $0x10;
	v15 =	vld [tilespmem:s17+$0x50];
	v13 =	vand.u32 $0xFFFF, v13  }
0x77: {  	v8 =	vor.u32 v1, v8;
	v7 =	vor.u32 v1, v7;
	v16 =	vshrl.u32 v9, $0x10;
	v17 =	vld [tilespmem:s17+$0x60]  }
0x78: {  	v9 =	vor.u32 v1, v9;
	v18 =	vshrl.u32 v10, $0x10;
	v10 =	vor.u32 v1, v10;
	[tilespmem:v6+s9+$0x0] =	vst.idx.add.s32.msk $0xffff, v2  }
0x79: {  	v6 =	vand.u32 $0xFFFF, v8;
	v8 =	vshrl.u32 v11, $0x10;
	v19 =	vor.u32 v1, v11;
	[tilespmem:v5+s9+$0x0] =	vst.idx.add.s32.msk $0xffff, v2  }
0x7a: {  	v5 =	vor.u32 v1, v14;
	v14 =	vshrl.u32 v12, $0x10;
	v20 =	vor.u32 v1, v12;
	[tilespmem:v4+s9+$0x0] =	vst.idx.add.s32.msk $0xffff, v2  }
0x7b: {  	v21 =	vand.u32 $0xFFFF, v9;
	v4 =	vshrl.u32 v15, $0x10;
	v15 =	vor.u32 v1, v15;
	[tilespmem:v13+s9+$0x0] =	vst.idx.add.s32.msk $0xffff, v2  }
0x7c: {  	v13 =	vor.u32 v1, v16;
	v16 =	vshrl.u32 v17, $0x10;
	v17 =	vor.u32 v1, v17;
	[tilespmem:v7+s9+$0x0] =	vst.idx.add.s32.msk $0xffff, v2  }
.Ltmp2:
0x7d: {  	v11 =	vor.u32 v1, v18;
	v12 =	vand.u32 $0xFFFF, v10;
	v10 =	vand.u32 $0xFFFF, v19;
	[tilespmem:v3+s9+$0x0] =	vst.idx.add.s32.msk $0xffff, v2;
	(pc) =	sbr.rel @p0 .LBB2_6-.Ltmp2, $4  }
0x7e: {  	v9 =	vor.u32 v1, v8;
	v8 =	vand.u32 $0xFFFF, v20;
	v7 =	vor.u32 v1, v14;
	[tilespmem:v6+s9+$0x0] =	vst.idx.add.s32.msk $0xffff, v2  }
0x7f: {  	v6 =	vand.u32 $0xFFFF, v15;
	[tilespmem:v5+s9+$0x0] =	vst.idx.add.s32.msk $0xffff, v2;
	v5 =	vor.u32 v1, v4;
	v4 =	vand.u32 $0xFFFF, v17  }
0x80: {  	v3 =	vor.u32 v1, v16;
	[tilespmem:v21+s9+$0x0] =	vst.idx.add.s32.msk $0xffff, v2  }
0x81: {  	[tilespmem:v13+s9+$0x0] =	vst.idx.add.s32.msk $0xffff, v2  }
0x82: {  	_ =	sdelay $0x3  }
0x83: {  	[tilespmem:v12+s9+$0x0] =	vst.idx.add.s32.msk $0xffff, v2  }
0x84: {  	[tilespmem:v10+s9+$0x0] =	vst.idx.add.s32.msk $0xffff, v2  }
0x85: {  	[tilespmem:v8+s9+$0x0] =	vst.idx.add.s32.msk $0xffff, v2  }
0x86: {  	[tilespmem:v6+s9+$0x0] =	vst.idx.add.s32.msk $0xffff, v2  }
0x87: {  	[tilespmem:v4+s9+$0x0] =	vst.idx.add.s32.msk $0xffff, v2  }
0x88: {  	[tilespmem:v11+s9+$0x0] =	vst.idx.add.s32.msk $0xffff, v2  }
0x89: {  	[tilespmem:v9+s9+$0x0] =	vst.idx.add.s32.msk $0xffff, v2  }
0x8a: {  	s2 =	sadd.s32 $0x1, s2;
	[tilespmem:v7+s9+$0x0] =	vst.idx.add.s32.msk $0xffff, v2  }
0x8b: {  	[tilespmem:v5+s9+$0x0] =	vst.idx.add.s32.msk $0xffff, v2;
	p0 =	sne.s32 s2, s6  }
.Ltmp3:
0x8c: {  	[tilespmem:v3+s9+$0x0] =	vst.idx.add.s32.msk $0xffff, v2;
	(pc) =	sbr.rel @p0 .LBB2_1-.Ltmp3, $4  }
0x8d: {  	[hbm4b:s5+s11] =	stream.strided.scatter [tilespmem:s9], [sflag:$0x3], $0x2600, s12, s11, $0x38;
	[tilespmem:$0xA600] =	vst v63  }
0x8e: {  	_ =	swait.ge [sflag:s13], $0x2600  }
0x8f: {  	[sflag:s13] =	ssyncset.done $0x0  }
0x90: {  	[sflag:s13] =	ssyncadd.s32 $0xFFFFDA00  }
0x91: {  	_ =	sfence.sel $0x180000  }
0x92: {  	[bflag:$0x0] =	sbarrier.arrive $0xFFFF  }
0x93: {  	p0 =	sne.s32 s0, $0x0;
	_ =	strace $0x90000047  }
0x94: {  	s0 =	sadd.s32 @!p0 $0x100000, s1;
	[bflag:$0x2] =	sbarrier.arrive $0xFFFF  }
0x95: {  	[sflag:s0] =	ssyncadd.tile.s32 @!p0 $0x1;
	_ =	shalt  }
.Lfunc_end2:
_tile_overlayer_lowered:
.L_overlay_start_2:
0x96: {  	(tag) =	ssettag $0x2  }
0x97: {  	s0 =	rddreg [dreg:$0x0];
	s2 =	stileid.u32  }
0x98: {  	s1 =	rddreg [dreg:$0x1];
	p0 =	sne.s32 s2, $0x0  }
0x99: {  	s3 =	rddreg [dreg:$0x2];
	[bflag:$0x3] =	sbarrier.arrive $0xFFFF;
	s2 =	simm.s32 @!p0 $0x1C03  }
0x9a: {  	[timem:s3], [sflag:s2] =	dma.local @!p0 [hbm:s0], s1  }
0x9b: {  	s0 =	simm.s32 @!p0 $0x3  }
0x9c: {  	_ =	swait.ge @!p0 [sflag:s0], s1  }
0x9d: {  	s1 =	ssub.s32 @!p0 $0x0, s1;
	[sflag:s0] =	ssyncset.done @!p0 $0x0  }
0x9e: {  	[sflag:s0] =	ssyncadd.s32 @!p0 s1  }
0x9f: {  	[bflag:$0x3] =	sbarrier.arrive $0xFFFF  }
0xa0: {  	_ =	shalt  }

</sc_bundles>
